<compile_context>
chip_gen: v7x
topology: tpu7x:2x2x1
jax: 0.10.2.dev20260603
libtpu: 0.0.44.dev20260713+nightly
codegen_flags: <defaults>
</compile_context>

<pallas_src>
import functools

import jax
import jax.numpy as jnp
from jax import lax
from jax.experimental import pallas as pl
from jax.experimental.pallas import tpu as pltpu
from jax.experimental.pallas import tpu_sc as plsc

_B = 16384
_MSG = 8
_V = 16
_D = _MSG * _V
_NC, _NS = 2, 16
_NW = _NC * _NS
_BPW = _B // _NW
_NWIN = _BPW * _MSG // 16

_LN2 = 0.6931471805599453


def _sc_body(msg_hbm, der_hbm, tab_hbm, out_hbm, idx_v, rows_v, msg_v, acc_v, sem):
    wid = lax.axis_index("s") * _NC + lax.axis_index("c")
    base = wid * _BPW

    pltpu.sync_copy(der_hbm.at[pl.ds(base, _BPW)], idx_v)
    pltpu.sync_copy(msg_hbm.at[pl.ds(base, _BPW)], msg_v)
    cp = pltpu.async_copy(tab_hbm.at[idx_v], rows_v, sem)

    iota = lax.iota(jnp.int32, 16)
    row_off = lax.shift_right_logical(iota, 3)
    col_base = (iota & 7) * _V
    cols = [col_base + ((iota + v) & 15) for v in range(_V)]
    pos4 = (iota & 7) * 4

    def w_body(w, acc):
        rb = row_off + w * 2
        mp = plsc.load_gather(msg_v, [rb])
        msg = lax.shift_right_logical(mp, pos4) & 15
        tgt = plsc.load_gather(rows_v, [rb, col_base + msg])
        es = [
            jnp.exp(plsc.load_gather(rows_v, [rb, cols[v]])) for v in range(_V)
        ]
        while len(es) > 1:
            es = [a + b for a, b in zip(es[::2], es[1::2])]
        s = es[0]
        bits = lax.bitcast_convert_type(s, jnp.int32)
        e = lax.shift_right_logical(bits, 23) - 127
        m = lax.bitcast_convert_type(
            (bits & 0x007FFFFF) | 0x3F800000, jnp.float32
        )
        r = (m - 1.0) / (m + 1.0)
        r2 = r * r
        lnm = r * (2.0 + r2 * (0.66666667 + r2 * (0.4 + r2 * 0.28571429)))
        logs = e.astype(jnp.float32) * _LN2 + lnm
        return acc + (logs - tgt)

    cp.wait()
    acc = plsc.parallel_loop(
        0, _NWIN, unroll=1, carry=jnp.zeros((16,), jnp.float32)
    )(w_body)
    acc_v[...] = acc
    pltpu.sync_copy(acc_v, out_hbm.at[pl.ds(wid * 16, 16)])


_sc_kernel = functools.partial(
    pl.kernel,
    out_type=jax.ShapeDtypeStruct((_NW * 16,), jnp.float32),
    mesh=plsc.VectorSubcoreMesh(core_axis_name="c", subcore_axis_name="s"),
    compiler_params=pltpu.CompilerParams(needs_layout_passes=False),
    scratch_types=[
        pltpu.VMEM((_BPW,), jnp.int32),
        pltpu.VMEM((_BPW, _D), jnp.float32),
        pltpu.VMEM((_BPW,), jnp.int32),
        pltpu.VMEM((16,), jnp.float32),
        pltpu.SemaphoreType.DMA,
    ],
)(_sc_body)


def _reduce_body(p_ref, o_ref):
    o_ref[0, 0] = jnp.sum(p_ref[...]) * (1.0 / (_B * _MSG))


def _tc_reduce(partials):
    out = pl.pallas_call(
        _reduce_body,
        out_shape=jax.ShapeDtypeStruct((1, 1), jnp.float32),
        out_specs=pl.BlockSpec(memory_space=pltpu.SMEM),
    )(partials.reshape(4, 128))
    return out[0, 0]


def kernel(messages, derivations, emb_weight):
    shifts = (jnp.arange(_MSG, dtype=jnp.int32) * 4)[None, :]
    packed = jnp.sum(messages << shifts, axis=1, dtype=jnp.int32)
    partials = _sc_kernel(packed, derivations, emb_weight)
    return _tc_reduce(partials)

# --- scband reference (transcript-rebuilt; emitter-appended) ---
"""Pipeline reference for scband-objective-22995254903578 (READ-ONLY COPY).

The authoritative reference and input builder live on the scoring server;
editing this copy changes nothing except your own understanding.
"""

import jax, jax.numpy as jnp
import numpy as np

NUM_CONCEPTS = 100000
VOCAB = 16
MSG_LEN = 8
BATCH = 16384


def setup_inputs(seed: int = 0) -> dict:
    key = jax.random.key(seed)
    k1, k2, k3 = jax.random.split(key, 3)
    derivations = jax.random.randint(k1, (BATCH,), 0, NUM_CONCEPTS, dtype=jnp.int32)
    messages = jax.random.randint(k2, (BATCH, MSG_LEN), 0, VOCAB, dtype=jnp.int32)
    # Learned parameter: embedding table [num_concepts, message_length * vocab_size]
    emb_weight = jax.random.normal(k3, (NUM_CONCEPTS, MSG_LEN * VOCAB), dtype=jnp.float32)
    return {"messages": messages, "derivations": derivations, "emb_weight": emb_weight}


def reference(messages, derivations, emb_weight):
    # compose(derivations): leaf case -> embedding lookup (gather)
    composed = jnp.take(emb_weight, derivations, axis=0)  # [B, MSG_LEN * VOCAB]
    # loss_fn: per-position cross-entropy between composed logits and target messages
    logits = composed.reshape(BATCH, MSG_LEN, VOCAB)
    logp = jax.nn.log_softmax(logits, axis=-1)
    nll = -jnp.take_along_axis(logp, messages[..., None], axis=-1).squeeze(-1)  # [B, MSG_LEN]
    return jnp.mean(nll)

if __name__ == "__main__":
    import jax
    _d = setup_inputs()
    print(jax.jit(kernel)(*tuple(_d.values())))

</pallas_src>

<mosaic_0001>
#map = affine_map<(d0, d1) -> (0)>
#map1 = affine_map<(d0, d1) -> (0, 0)>
module attributes {stable_mosaic.version = 14 : i64} {
  func.func @_sc_body(%arg0: i32, %arg1: i32, %arg2: memref<16384xi32, #tpu.memory_space<hbm>>, %arg3: memref<16384xi32, #tpu.memory_space<hbm>>, %arg4: memref<100000x128xf32, #tpu.memory_space<hbm>>, %arg5: memref<512xf32, #tpu.memory_space<hbm>>, %arg6: memref<512xi32, #tpu.memory_space<vmem>>, %arg7: memref<512x128xf32, #tpu.memory_space<vmem>>, %arg8: memref<512xi32, #tpu.memory_space<vmem>>, %arg9: memref<16xf32, #tpu.memory_space<vmem>>, %arg10: memref<!tpu.dma_semaphore, #tpu.memory_space<semaphore_mem>>) attributes {dimension_semantics = [#tpu.dimension_semantics<core_parallel>, #tpu.dimension_semantics<subcore_parallel>], iteration_bounds = array<i64: 2, 16>, scalar_prefetch = 0 : i64, scratch_operands = 5 : i64, tpu.core_type = #tpu.core_type<sc_vector_subcore>, window_params = [{transform_indices = #map}, {transform_indices = #map}, {transform_indices = #map1}, {transform_indices = #map}]} {
    %mul3A = arith.constant 2 : i32
    %mul3A_0 = arith.muli %arg1, %mul3A : i32
    %add3A = arith.addi %mul3A_0, %arg0 : i32
    %mul3A_1 = arith.constant 512 : i32
    %mul3A_2 = arith.muli %add3A, %mul3A_1 : i32
    "tpu.region"() ({
      %run_scoped3A = tpu.sem_alloc : memref<!tpu.dma_semaphore, #tpu.memory_space<semaphore_mem>>
      %dma_start3A_139 = tpu.memref_slice %arg3[%mul3A_2] : memref<16384xi32, #tpu.memory_space<hbm>> -> memref<512xi32, #tpu.memory_space<hbm>>
      %dma_start3A_140 = tpu.memref_slice %arg3[%mul3A_2] : memref<16384xi32, #tpu.memory_space<hbm>> -> memref<512xi32, #tpu.memory_space<hbm>>
      tpu.enqueue_dma source(%dma_start3A_140 : memref<512xi32, #tpu.memory_space<hbm>>) target(%arg6 : memref<512xi32, #tpu.memory_space<vmem>>) target_semaphore(%run_scoped3A : memref<!tpu.dma_semaphore, #tpu.memory_space<semaphore_mem>>)
      %dma_wait3A_141 = tpu.memref_slice %arg3[%mul3A_2] : memref<16384xi32, #tpu.memory_space<hbm>> -> memref<512xi32, #tpu.memory_space<hbm>>
      %dma_wait3A_142 = tpu.memref_slice %arg3[%mul3A_2] : memref<16384xi32, #tpu.memory_space<hbm>> -> memref<512xi32, #tpu.memory_space<hbm>>
      tpu.wait_dma2 semaphore(%run_scoped3A : memref<!tpu.dma_semaphore, #tpu.memory_space<semaphore_mem>>) src(%dma_wait3A_142 : memref<512xi32, #tpu.memory_space<hbm>>) dst(%arg6 : memref<512xi32, #tpu.memory_space<vmem>>)
      tpu.yield
    }) : () -> ()
    "tpu.region"() ({
      %run_scoped3A = tpu.sem_alloc : memref<!tpu.dma_semaphore, #tpu.memory_space<semaphore_mem>>
      %dma_start3A_139 = tpu.memref_slice %arg2[%mul3A_2] : memref<16384xi32, #tpu.memory_space<hbm>> -> memref<512xi32, #tpu.memory_space<hbm>>
      %dma_start3A_140 = tpu.memref_slice %arg2[%mul3A_2] : memref<16384xi32, #tpu.memory_space<hbm>> -> memref<512xi32, #tpu.memory_space<hbm>>
      tpu.enqueue_dma source(%dma_start3A_140 : memref<512xi32, #tpu.memory_space<hbm>>) target(%arg8 : memref<512xi32, #tpu.memory_space<vmem>>) target_semaphore(%run_scoped3A : memref<!tpu.dma_semaphore, #tpu.memory_space<semaphore_mem>>)
      %dma_wait3A_141 = tpu.memref_slice %arg2[%mul3A_2] : memref<16384xi32, #tpu.memory_space<hbm>> -> memref<512xi32, #tpu.memory_space<hbm>>
      %dma_wait3A_142 = tpu.memref_slice %arg2[%mul3A_2] : memref<16384xi32, #tpu.memory_space<hbm>> -> memref<512xi32, #tpu.memory_space<hbm>>
      tpu.wait_dma2 semaphore(%run_scoped3A : memref<!tpu.dma_semaphore, #tpu.memory_space<semaphore_mem>>) src(%dma_wait3A_142 : memref<512xi32, #tpu.memory_space<hbm>>) dst(%arg8 : memref<512xi32, #tpu.memory_space<vmem>>)
      tpu.yield
    }) : () -> ()
    %dma_start3A = arith.constant 0 : i32
    %dma_start3A_3 = arith.constant 0 : i32
    %dma_start3A_4 = tpu.memref_slice %arg4[%dma_start3A, %dma_start3A_3] : memref<100000x128xf32, #tpu.memory_space<hbm>> -> memref<100000x128xf32, #tpu.memory_space<hbm>>
    tpu.enqueue_indirect_dma source(%dma_start3A_4 : memref<100000x128xf32, #tpu.memory_space<hbm>>) target(%arg7 : memref<512x128xf32, #tpu.memory_space<vmem>>) offsets(%arg6 : memref<512xi32, #tpu.memory_space<vmem>>) semaphore(%arg10 : memref<!tpu.dma_semaphore, #tpu.memory_space<semaphore_mem>>)
    %iota3A = tpu.iota {dimensions = array<i32: 0>} : vector<16xi32>
    %shift_right_logical3A = arith.constant 3 : i32
    %shift_right_logical3A_5 = vector.broadcast %shift_right_logical3A : i32 to vector<16xi32>
    %shift_right_logical3A_6 = arith.shrui %iota3A, %shift_right_logical3A_5 : vector<16xi32>
    %and3A = arith.constant 7 : i32
    %and3A_7 = vector.broadcast %and3A : i32 to vector<16xi32>
    %and3A_8 = arith.andi %iota3A, %and3A_7 : vector<16xi32>
    %mul3A_9 = arith.constant 16 : i32
    %mul3A_10 = vector.broadcast %mul3A_9 : i32 to vector<16xi32>
    %mul3A_11 = arith.muli %and3A_8, %mul3A_10 : vector<16xi32>
    %add3A_12 = arith.constant 0 : i32
    %add3A_13 = vector.broadcast %add3A_12 : i32 to vector<16xi32>
    %add3A_14 = arith.addi %iota3A, %add3A_13 : vector<16xi32>
    %and3A_15 = arith.constant 15 : i32
    %and3A_16 = vector.broadcast %and3A_15 : i32 to vector<16xi32>
    %and3A_17 = arith.andi %add3A_14, %and3A_16 : vector<16xi32>
    %add3A_18 = arith.addi %mul3A_11, %and3A_17 : vector<16xi32>
    %add3A_19 = arith.constant 1 : i32
    %add3A_20 = vector.broadcast %add3A_19 : i32 to vector<16xi32>
    %add3A_21 = arith.addi %iota3A, %add3A_20 : vector<16xi32>
    %and3A_22 = arith.constant 15 : i32
    %and3A_23 = vector.broadcast %and3A_22 : i32 to vector<16xi32>
    %and3A_24 = arith.andi %add3A_21, %and3A_23 : vector<16xi32>
    %add3A_25 = arith.addi %mul3A_11, %and3A_24 : vector<16xi32>
    %add3A_26 = arith.constant 2 : i32
    %add3A_27 = vector.broadcast %add3A_26 : i32 to vector<16xi32>
    %add3A_28 = arith.addi %iota3A, %add3A_27 : vector<16xi32>
    %and3A_29 = arith.constant 15 : i32
    %and3A_30 = vector.broadcast %and3A_29 : i32 to vector<16xi32>
    %and3A_31 = arith.andi %add3A_28, %and3A_30 : vector<16xi32>
    %add3A_32 = arith.addi %mul3A_11, %and3A_31 : vector<16xi32>
    %add3A_33 = arith.constant 3 : i32
    %add3A_34 = vector.broadcast %add3A_33 : i32 to vector<16xi32>
    %add3A_35 = arith.addi %iota3A, %add3A_34 : vector<16xi32>
    %and3A_36 = arith.constant 15 : i32
    %and3A_37 = vector.broadcast %and3A_36 : i32 to vector<16xi32>
    %and3A_38 = arith.andi %add3A_35, %and3A_37 : vector<16xi32>
    %add3A_39 = arith.addi %mul3A_11, %and3A_38 : vector<16xi32>
    %add3A_40 = arith.constant 4 : i32
    %add3A_41 = vector.broadcast %add3A_40 : i32 to vector<16xi32>
    %add3A_42 = arith.addi %iota3A, %add3A_41 : vector<16xi32>
    %and3A_43 = arith.constant 15 : i32
    %and3A_44 = vector.broadcast %and3A_43 : i32 to vector<16xi32>
    %and3A_45 = arith.andi %add3A_42, %and3A_44 : vector<16xi32>
    %add3A_46 = arith.addi %mul3A_11, %and3A_45 : vector<16xi32>
    %add3A_47 = arith.constant 5 : i32
    %add3A_48 = vector.broadcast %add3A_47 : i32 to vector<16xi32>
    %add3A_49 = arith.addi %iota3A, %add3A_48 : vector<16xi32>
    %and3A_50 = arith.constant 15 : i32
    %and3A_51 = vector.broadcast %and3A_50 : i32 to vector<16xi32>
    %and3A_52 = arith.andi %add3A_49, %and3A_51 : vector<16xi32>
    %add3A_53 = arith.addi %mul3A_11, %and3A_52 : vector<16xi32>
    %add3A_54 = arith.constant 6 : i32
    %add3A_55 = vector.broadcast %add3A_54 : i32 to vector<16xi32>
    %add3A_56 = arith.addi %iota3A, %add3A_55 : vector<16xi32>
    %and3A_57 = arith.constant 15 : i32
    %and3A_58 = vector.broadcast %and3A_57 : i32 to vector<16xi32>
    %and3A_59 = arith.andi %add3A_56, %and3A_58 : vector<16xi32>
    %add3A_60 = arith.addi %mul3A_11, %and3A_59 : vector<16xi32>
    %add3A_61 = arith.constant 7 : i32
    %add3A_62 = vector.broadcast %add3A_61 : i32 to vector<16xi32>
    %add3A_63 = arith.addi %iota3A, %add3A_62 : vector<16xi32>
    %and3A_64 = arith.constant 15 : i32
    %and3A_65 = vector.broadcast %and3A_64 : i32 to vector<16xi32>
    %and3A_66 = arith.andi %add3A_63, %and3A_65 : vector<16xi32>
    %add3A_67 = arith.addi %mul3A_11, %and3A_66 : vector<16xi32>
    %add3A_68 = arith.constant 8 : i32
    %add3A_69 = vector.broadcast %add3A_68 : i32 to vector<16xi32>
    %add3A_70 = arith.addi %iota3A, %add3A_69 : vector<16xi32>
    %and3A_71 = arith.constant 15 : i32
    %and3A_72 = vector.broadcast %and3A_71 : i32 to vector<16xi32>
    %and3A_73 = arith.andi %add3A_70, %and3A_72 : vector<16xi32>
    %add3A_74 = arith.addi %mul3A_11, %and3A_73 : vector<16xi32>
    %add3A_75 = arith.constant 9 : i32
    %add3A_76 = vector.broadcast %add3A_75 : i32 to vector<16xi32>
    %add3A_77 = arith.addi %iota3A, %add3A_76 : vector<16xi32>
    %and3A_78 = arith.constant 15 : i32
    %and3A_79 = vector.broadcast %and3A_78 : i32 to vector<16xi32>
    %and3A_80 = arith.andi %add3A_77, %and3A_79 : vector<16xi32>
    %add3A_81 = arith.addi %mul3A_11, %and3A_80 : vector<16xi32>
    %add3A_82 = arith.constant 10 : i32
    %add3A_83 = vector.broadcast %add3A_82 : i32 to vector<16xi32>
    %add3A_84 = arith.addi %iota3A, %add3A_83 : vector<16xi32>
    %and3A_85 = arith.constant 15 : i32
    %and3A_86 = vector.broadcast %and3A_85 : i32 to vector<16xi32>
    %and3A_87 = arith.andi %add3A_84, %and3A_86 : vector<16xi32>
    %add3A_88 = arith.addi %mul3A_11, %and3A_87 : vector<16xi32>
    %add3A_89 = arith.constant 11 : i32
    %add3A_90 = vector.broadcast %add3A_89 : i32 to vector<16xi32>
    %add3A_91 = arith.addi %iota3A, %add3A_90 : vector<16xi32>
    %and3A_92 = arith.constant 15 : i32
    %and3A_93 = vector.broadcast %and3A_92 : i32 to vector<16xi32>
    %and3A_94 = arith.andi %add3A_91, %and3A_93 : vector<16xi32>
    %add3A_95 = arith.addi %mul3A_11, %and3A_94 : vector<16xi32>
    %add3A_96 = arith.constant 12 : i32
    %add3A_97 = vector.broadcast %add3A_96 : i32 to vector<16xi32>
    %add3A_98 = arith.addi %iota3A, %add3A_97 : vector<16xi32>
    %and3A_99 = arith.constant 15 : i32
    %and3A_100 = vector.broadcast %and3A_99 : i32 to vector<16xi32>
    %and3A_101 = arith.andi %add3A_98, %and3A_100 : vector<16xi32>
    %add3A_102 = arith.addi %mul3A_11, %and3A_101 : vector<16xi32>
    %add3A_103 = arith.constant 13 : i32
    %add3A_104 = vector.broadcast %add3A_103 : i32 to vector<16xi32>
    %add3A_105 = arith.addi %iota3A, %add3A_104 : vector<16xi32>
    %and3A_106 = arith.constant 15 : i32
    %and3A_107 = vector.broadcast %and3A_106 : i32 to vector<16xi32>
    %and3A_108 = arith.andi %add3A_105, %and3A_107 : vector<16xi32>
    %add3A_109 = arith.addi %mul3A_11, %and3A_108 : vector<16xi32>
    %add3A_110 = arith.constant 14 : i32
    %add3A_111 = vector.broadcast %add3A_110 : i32 to vector<16xi32>
    %add3A_112 = arith.addi %iota3A, %add3A_111 : vector<16xi32>
    %and3A_113 = arith.constant 15 : i32
    %and3A_114 = vector.broadcast %and3A_113 : i32 to vector<16xi32>
    %and3A_115 = arith.andi %add3A_112, %and3A_114 : vector<16xi32>
    %add3A_116 = arith.addi %mul3A_11, %and3A_115 : vector<16xi32>
    %add3A_117 = arith.constant 15 : i32
    %add3A_118 = vector.broadcast %add3A_117 : i32 to vector<16xi32>
    %add3A_119 = arith.addi %iota3A, %add3A_118 : vector<16xi32>
    %and3A_120 = arith.constant 15 : i32
    %and3A_121 = vector.broadcast %and3A_120 : i32 to vector<16xi32>
    %and3A_122 = arith.andi %add3A_119, %and3A_121 : vector<16xi32>
    %add3A_123 = arith.addi %mul3A_11, %and3A_122 : vector<16xi32>
    %and3A_124 = arith.constant 7 : i32
    %and3A_125 = vector.broadcast %and3A_124 : i32 to vector<16xi32>
    %and3A_126 = arith.andi %iota3A, %and3A_125 : vector<16xi32>
    %mul3A_127 = arith.constant 4 : i32
    %mul3A_128 = vector.broadcast %mul3A_127 : i32 to vector<16xi32>
    %mul3A_129 = arith.muli %and3A_126, %mul3A_128 : vector<16xi32>
    %dma_wait3A = arith.constant 0 : i32
    %dma_wait3A_130 = arith.constant 0 : i32
    %dma_wait3A_131 = tpu.memref_slice %arg4[%dma_wait3A, %dma_wait3A_130] : memref<100000x128xf32, #tpu.memory_space<hbm>> -> memref<100000x128xf32, #tpu.memory_space<hbm>>
    tpu.wait_indirect_dma semaphore(%arg10 : memref<!tpu.dma_semaphore, #tpu.memory_space<semaphore_mem>>) src(%dma_wait3A_131 : memref<100000x128xf32, #tpu.memory_space<hbm>>) dst(%arg7 : memref<512x128xf32, #tpu.memory_space<vmem>>)
    %broadcast_in_dim3A = arith.constant 0.000000e+00 : f32
    %broadcast_in_dim3A_132 = vector.broadcast %broadcast_in_dim3A : f32 to vector<16xf32>
    %parallel_loop3A = arith.constant 0 : i32
    %parallel_loop3A_133 = arith.constant 256 : i32
    %parallel_loop3A_134 = arith.constant 1 : i32
    %parallel_loop3A_135 = scf.for %parallel_loop3A_139 = %parallel_loop3A to %parallel_loop3A_133 step %parallel_loop3A_134 iter_args(%parallel_loop3A_140 = %broadcast_in_dim3A_132) -> (vector<16xf32>)  : i32 {
      %parallel_loop3A_141 = arith.constant 2 : i32
      %parallel_loop3A_142 = arith.muli %parallel_loop3A_139, %parallel_loop3A_141 : i32
      %parallel_loop3A_143 = vector.broadcast %parallel_loop3A_142 : i32 to vector<16xi32>
      %parallel_loop3A_144 = arith.addi %shift_right_logical3A_6, %parallel_loop3A_143 : vector<16xi32>
      %parallel_loop3A_145 = tpu.vector_load_idx %arg8[%parallel_loop3A_144] : memref<512xi32, #tpu.memory_space<vmem>>[vector<16xi32>], vector<16xi32>,
      %parallel_loop3A_146 = arith.shrui %parallel_loop3A_145, %mul3A_129 : vector<16xi32>
      %parallel_loop3A_147 = arith.constant 15 : i32
      %parallel_loop3A_148 = vector.broadcast %parallel_loop3A_147 : i32 to vector<16xi32>
      %parallel_loop3A_149 = arith.andi %parallel_loop3A_146, %parallel_loop3A_148 : vector<16xi32>
      %parallel_loop3A_150 = arith.addi %mul3A_11, %parallel_loop3A_149 : vector<16xi32>
      %parallel_loop3A_151 = tpu.vector_load_idx %arg7[%parallel_loop3A_144, %parallel_loop3A_150] : memref<512x128xf32, #tpu.memory_space<vmem>>[vector<16xi32>, vector<16xi32>], vector<16xf32>,
      %parallel_loop3A_152 = tpu.vector_load_idx %arg7[%parallel_loop3A_144, %add3A_18] : memref<512x128xf32, #tpu.memory_space<vmem>>[vector<16xi32>, vector<16xi32>], vector<16xf32>,
      %parallel_loop3A_153 = math.exp %parallel_loop3A_152 : vector<16xf32>
      %parallel_loop3A_154 = tpu.vector_load_idx %arg7[%parallel_loop3A_144, %add3A_25] : memref<512x128xf32, #tpu.memory_space<vmem>>[vector<16xi32>, vector<16xi32>], vector<16xf32>,
      %parallel_loop3A_155 = math.exp %parallel_loop3A_154 : vector<16xf32>
      %parallel_loop3A_156 = tpu.vector_load_idx %arg7[%parallel_loop3A_144, %add3A_32] : memref<512x128xf32, #tpu.memory_space<vmem>>[vector<16xi32>, vector<16xi32>], vector<16xf32>,
      %parallel_loop3A_157 = math.exp %parallel_loop3A_156 : vector<16xf32>
      %parallel_loop3A_158 = tpu.vector_load_idx %arg7[%parallel_loop3A_144, %add3A_39] : memref<512x128xf32, #tpu.memory_space<vmem>>[vector<16xi32>, vector<16xi32>], vector<16xf32>,
      %parallel_loop3A_159 = math.exp %parallel_loop3A_158 : vector<16xf32>
      %parallel_loop3A_160 = tpu.vector_load_idx %arg7[%parallel_loop3A_144, %add3A_46] : memref<512x128xf32, #tpu.memory_space<vmem>>[vector<16xi32>, vector<16xi32>], vector<16xf32>,
      %parallel_loop3A_161 = math.exp %parallel_loop3A_160 : vector<16xf32>
      %parallel_loop3A_162 = tpu.vector_load_idx %arg7[%parallel_loop3A_144, %add3A_53] : memref<512x128xf32, #tpu.memory_space<vmem>>[vector<16xi32>, vector<16xi32>], vector<16xf32>,
      %parallel_loop3A_163 = math.exp %parallel_loop3A_162 : vector<16xf32>
      %parallel_loop3A_164 = tpu.vector_load_idx %arg7[%parallel_loop3A_144, %add3A_60] : memref<512x128xf32, #tpu.memory_space<vmem>>[vector<16xi32>, vector<16xi32>], vector<16xf32>,
      %parallel_loop3A_165 = math.exp %parallel_loop3A_164 : vector<16xf32>
      %parallel_loop3A_166 = tpu.vector_load_idx %arg7[%parallel_loop3A_144, %add3A_67] : memref<512x128xf32, #tpu.memory_space<vmem>>[vector<16xi32>, vector<16xi32>], vector<16xf32>,
      %parallel_loop3A_167 = math.exp %parallel_loop3A_166 : vector<16xf32>
      %parallel_loop3A_168 = tpu.vector_load_idx %arg7[%parallel_loop3A_144, %add3A_74] : memref<512x128xf32, #tpu.memory_space<vmem>>[vector<16xi32>, vector<16xi32>], vector<16xf32>,
      %parallel_loop3A_169 = math.exp %parallel_loop3A_168 : vector<16xf32>
      %parallel_loop3A_170 = tpu.vector_load_idx %arg7[%parallel_loop3A_144, %add3A_81] : memref<512x128xf32, #tpu.memory_space<vmem>>[vector<16xi32>, vector<16xi32>], vector<16xf32>,
      %parallel_loop3A_171 = math.exp %parallel_loop3A_170 : vector<16xf32>
      %parallel_loop3A_172 = tpu.vector_load_idx %arg7[%parallel_loop3A_144, %add3A_88] : memref<512x128xf32, #tpu.memory_space<vmem>>[vector<16xi32>, vector<16xi32>], vector<16xf32>,
      %parallel_loop3A_173 = math.exp %parallel_loop3A_172 : vector<16xf32>
      %parallel_loop3A_174 = tpu.vector_load_idx %arg7[%parallel_loop3A_144, %add3A_95] : memref<512x128xf32, #tpu.memory_space<vmem>>[vector<16xi32>, vector<16xi32>], vector<16xf32>,
      %parallel_loop3A_175 = math.exp %parallel_loop3A_174 : vector<16xf32>
      %parallel_loop3A_176 = tpu.vector_load_idx %arg7[%parallel_loop3A_144, %add3A_102] : memref<512x128xf32, #tpu.memory_space<vmem>>[vector<16xi32>, vector<16xi32>], vector<16xf32>,
      %parallel_loop3A_177 = math.exp %parallel_loop3A_176 : vector<16xf32>
      %parallel_loop3A_178 = tpu.vector_load_idx %arg7[%parallel_loop3A_144, %add3A_109] : memref<512x128xf32, #tpu.memory_space<vmem>>[vector<16xi32>, vector<16xi32>], vector<16xf32>,
      %parallel_loop3A_179 = math.exp %parallel_loop3A_178 : vector<16xf32>
      %parallel_loop3A_180 = tpu.vector_load_idx %arg7[%parallel_loop3A_144, %add3A_116] : memref<512x128xf32, #tpu.memory_space<vmem>>[vector<16xi32>, vector<16xi32>], vector<16xf32>,
      %parallel_loop3A_181 = math.exp %parallel_loop3A_180 : vector<16xf32>
      %parallel_loop3A_182 = tpu.vector_load_idx %arg7[%parallel_loop3A_144, %add3A_123] : memref<512x128xf32, #tpu.memory_space<vmem>>[vector<16xi32>, vector<16xi32>], vector<16xf32>,
      %parallel_loop3A_183 = math.exp %parallel_loop3A_182 : vector<16xf32>
      %parallel_loop3A_184 = arith.addf %parallel_loop3A_153, %parallel_loop3A_155 : vector<16xf32>
      %parallel_loop3A_185 = arith.addf %parallel_loop3A_157, %parallel_loop3A_159 : vector<16xf32>
      %parallel_loop3A_186 = arith.addf %parallel_loop3A_161, %parallel_loop3A_163 : vector<16xf32>
      %parallel_loop3A_187 = arith.addf %parallel_loop3A_165, %parallel_loop3A_167 : vector<16xf32>
      %parallel_loop3A_188 = arith.addf %parallel_loop3A_169, %parallel_loop3A_171 : vector<16xf32>
      %parallel_loop3A_189 = arith.addf %parallel_loop3A_173, %parallel_loop3A_175 : vector<16xf32>
      %parallel_loop3A_190 = arith.addf %parallel_loop3A_177, %parallel_loop3A_179 : vector<16xf32>
      %parallel_loop3A_191 = arith.addf %parallel_loop3A_181, %parallel_loop3A_183 : vector<16xf32>
      %parallel_loop3A_192 = arith.addf %parallel_loop3A_184, %parallel_loop3A_185 : vector<16xf32>
      %parallel_loop3A_193 = arith.addf %parallel_loop3A_186, %parallel_loop3A_187 : vector<16xf32>
      %parallel_loop3A_194 = arith.addf %parallel_loop3A_188, %parallel_loop3A_189 : vector<16xf32>
      %parallel_loop3A_195 = arith.addf %parallel_loop3A_190, %parallel_loop3A_191 : vector<16xf32>
      %parallel_loop3A_196 = arith.addf %parallel_loop3A_192, %parallel_loop3A_193 : vector<16xf32>
      %parallel_loop3A_197 = arith.addf %parallel_loop3A_194, %parallel_loop3A_195 : vector<16xf32>
      %parallel_loop3A_198 = arith.addf %parallel_loop3A_196, %parallel_loop3A_197 : vector<16xf32>
      %parallel_loop3A_199 = tpu.bitcast %parallel_loop3A_198 : vector<16xf32> -> vector<16xi32>
      %parallel_loop3A_200 = arith.constant 23 : i32
      %parallel_loop3A_201 = vector.broadcast %parallel_loop3A_200 : i32 to vector<16xi32>
      %parallel_loop3A_202 = arith.shrui %parallel_loop3A_199, %parallel_loop3A_201 : vector<16xi32>
      %parallel_loop3A_203 = arith.constant 127 : i32
      %parallel_loop3A_204 = vector.broadcast %parallel_loop3A_203 : i32 to vector<16xi32>
      %parallel_loop3A_205 = arith.subi %parallel_loop3A_202, %parallel_loop3A_204 : vector<16xi32>
      %parallel_loop3A_206 = arith.constant 8388607 : i32
      %parallel_loop3A_207 = vector.broadcast %parallel_loop3A_206 : i32 to vector<16xi32>
      %parallel_loop3A_208 = arith.andi %parallel_loop3A_199, %parallel_loop3A_207 : vector<16xi32>
      %parallel_loop3A_209 = arith.constant 1065353216 : i32
      %parallel_loop3A_210 = vector.broadcast %parallel_loop3A_209 : i32 to vector<16xi32>
      %parallel_loop3A_211 = arith.ori %parallel_loop3A_208, %parallel_loop3A_210 : vector<16xi32>
      %parallel_loop3A_212 = tpu.bitcast %parallel_loop3A_211 : vector<16xi32> -> vector<16xf32>
      %parallel_loop3A_213 = arith.constant 1.000000e+00 : f32
      %parallel_loop3A_214 = vector.broadcast %parallel_loop3A_213 : f32 to vector<16xf32>
      %parallel_loop3A_215 = arith.subf %parallel_loop3A_212, %parallel_loop3A_214 : vector<16xf32>
      %parallel_loop3A_216 = arith.constant 1.000000e+00 : f32
      %parallel_loop3A_217 = vector.broadcast %parallel_loop3A_216 : f32 to vector<16xf32>
      %parallel_loop3A_218 = arith.addf %parallel_loop3A_212, %parallel_loop3A_217 : vector<16xf32>
      %parallel_loop3A_219 = arith.divf %parallel_loop3A_215, %parallel_loop3A_218 : vector<16xf32>
      %parallel_loop3A_220 = arith.mulf %parallel_loop3A_219, %parallel_loop3A_219 : vector<16xf32>
      %parallel_loop3A_221 = arith.constant 0.285714298 : f32
      %parallel_loop3A_222 = vector.broadcast %parallel_loop3A_221 : f32 to vector<16xf32>
      %parallel_loop3A_223 = arith.mulf %parallel_loop3A_220, %parallel_loop3A_222 : vector<16xf32>
      %parallel_loop3A_224 = arith.constant 4.000000e-01 : f32
      %parallel_loop3A_225 = vector.broadcast %parallel_loop3A_224 : f32 to vector<16xf32>
      %parallel_loop3A_226 = arith.addf %parallel_loop3A_225, %parallel_loop3A_223 : vector<16xf32>
      %parallel_loop3A_227 = arith.mulf %parallel_loop3A_220, %parallel_loop3A_226 : vector<16xf32>
      %parallel_loop3A_228 = arith.constant 0.666666686 : f32
      %parallel_loop3A_229 = vector.broadcast %parallel_loop3A_228 : f32 to vector<16xf32>
      %parallel_loop3A_230 = arith.addf %parallel_loop3A_229, %parallel_loop3A_227 : vector<16xf32>
      %parallel_loop3A_231 = arith.mulf %parallel_loop3A_220, %parallel_loop3A_230 : vector<16xf32>
      %parallel_loop3A_232 = arith.constant 2.000000e+00 : f32
      %parallel_loop3A_233 = vector.broadcast %parallel_loop3A_232 : f32 to vector<16xf32>
      %parallel_loop3A_234 = arith.addf %parallel_loop3A_233, %parallel_loop3A_231 : vector<16xf32>
      %parallel_loop3A_235 = arith.mulf %parallel_loop3A_219, %parallel_loop3A_234 : vector<16xf32>
      %parallel_loop3A_236 = arith.sitofp %parallel_loop3A_205 : vector<16xi32> to vector<16xf32>
      %parallel_loop3A_237 = arith.constant 0.693147182 : f32
      %parallel_loop3A_238 = vector.broadcast %parallel_loop3A_237 : f32 to vector<16xf32>
      %parallel_loop3A_239 = arith.mulf %parallel_loop3A_236, %parallel_loop3A_238 : vector<16xf32>
      %parallel_loop3A_240 = arith.addf %parallel_loop3A_239, %parallel_loop3A_235 : vector<16xf32>
      %parallel_loop3A_241 = arith.subf %parallel_loop3A_240, %parallel_loop3A_151 : vector<16xf32>
      %parallel_loop3A_242 = arith.addf %parallel_loop3A_140, %parallel_loop3A_241 : vector<16xf32>
      scf.yield %parallel_loop3A_242 : vector<16xf32>
    } {sc.loop_unroll_factor = 1 : i64, sc.parallel_access}
    %swap3A = arith.constant 0 : index
    %swap3A_136 = tpu.vector_load %arg9[%swap3A] {strides = array<i32>} : memref<16xf32, #tpu.memory_space<vmem>>, vector<16xf32>,
    tpu.vector_store %arg9[%swap3A], %parallel_loop3A_135 {strides = array<i32>} : memref<16xf32, #tpu.memory_space<vmem>>, vector<16xf32>,
    %mul3A_137 = arith.constant 16 : i32
    %mul3A_138 = arith.muli %add3A, %mul3A_137 : i32
    "tpu.region"() ({
      %run_scoped3A = tpu.sem_alloc : memref<!tpu.dma_semaphore, #tpu.memory_space<semaphore_mem>>
      %dma_start3A_139 = tpu.memref_slice %arg5[%mul3A_138] : memref<512xf32, #tpu.memory_space<hbm>> -> memref<16xf32, #tpu.memory_space<hbm>>
      %dma_start3A_140 = tpu.memref_slice %arg5[%mul3A_138] : memref<512xf32, #tpu.memory_space<hbm>> -> memref<16xf32, #tpu.memory_space<hbm>>
      tpu.enqueue_dma source(%arg9 : memref<16xf32, #tpu.memory_space<vmem>>) target(%dma_start3A_140 : memref<16xf32, #tpu.memory_space<hbm>>) target_semaphore(%run_scoped3A : memref<!tpu.dma_semaphore, #tpu.memory_space<semaphore_mem>>)
      %dma_wait3A_141 = tpu.memref_slice %arg5[%mul3A_138] : memref<512xf32, #tpu.memory_space<hbm>> -> memref<16xf32, #tpu.memory_space<hbm>>
      %dma_wait3A_142 = tpu.memref_slice %arg5[%mul3A_138] : memref<512xf32, #tpu.memory_space<hbm>> -> memref<16xf32, #tpu.memory_space<hbm>>
      tpu.wait_dma2 semaphore(%run_scoped3A : memref<!tpu.dma_semaphore, #tpu.memory_space<semaphore_mem>>) src(%arg9 : memref<16xf32, #tpu.memory_space<vmem>>) dst(%dma_wait3A_142 : memref<16xf32, #tpu.memory_space<hbm>>)
      tpu.yield
    }) : () -> ()
    return
  }
}

module attributes {stable_mosaic.version = 14 : i64} {
  func.func @_reduce_body(%arg0: memref<4x128xf32, #tpu.memory_space<vmem>>, %arg1: memref<1x1xf32, #tpu.memory_space<smem>>) attributes {dimension_semantics = [], scalar_prefetch = 0 : i64, scratch_operands = 0 : i64, tpu.core_type = #tpu.core_type<tc>} {
    %get3A = arith.constant 0 : index
    %get3A_0 = arith.constant 0 : index
    %get3A_1 = vector.load %arg0[%get3A, %get3A_0] : memref<4x128xf32, #tpu.memory_space<vmem>>, vector<4x128xf32>
    %reduce_sum3A = vector.shape_cast %get3A_1 : vector<4x128xf32> to vector<1x4x128xf32>
    %reduce_sum3A_2 = arith.constant dense<0.000000e+00> : vector<1xf32>
    %reduce_sum3A_3 = vector.multi_reduction <add>, %reduce_sum3A, %reduce_sum3A_2 [1, 2] : vector<1x4x128xf32> to vector<1xf32>
    %reduce_sum3A_4 = vector.shape_cast %reduce_sum3A_3 : vector<1xf32> to vector<1x1x1xf32>
    %reduce_sum3A_5 = vector.extract %reduce_sum3A_4[0, 0, 0] : f32 from vector<1x1x1xf32>
    %mul3A = arith.constant 7.62939453E-6 : f32
    %mul3A_6 = arith.mulf %reduce_sum3A_5, %mul3A : f32
    %swap3A = arith.constant 0 : index
    %swap3A_7 = arith.constant 0 : index
    %swap3A_8 = memref.load %arg1[%swap3A, %swap3A_7] : memref<1x1xf32, #tpu.memory_space<smem>>
    memref.store %mul3A_6, %arg1[%swap3A, %swap3A_7] : memref<1x1xf32, #tpu.memory_space<smem>>
    return
  }
}

</mosaic_0001>

<sc_bundles>
// kernel: kernel.4.cloned.1.call-start
scs
__scs_entry_jumppad:
0x0: {  	(pc) =	sbr.rel $0x88, $3  }
0x1: {  	(tag) =	ssettag $0x0;
	lr =	simm.s32 $0x1  }
0x2: {  	[smem:$0x3F9E] =	sst lr;
	_ =	strace $0xD0000000  }
0x3: {  	_ = 	snop  }
0x4: {  	_ = 	snop  }
0x5: {  	_ = 	snop  }
0x6: {  	_ = 	snop  }
0x7: {  	_ = 	snop  }
__scs_overlays_trampoline_lowered:
0x8: {  	[smem:$0x3FAD] =	sst s0  }
0x9: {  	[smem:$0x3FAE] =	sst s1  }
0xa: {  	[smem:$0x3FAF] =	sst s2  }
0xb: {  	[smem:$0x3FB0] =	sst s3  }
0xc: {  	[smem:$0x3FB1] =	sst s4  }
0xd: {  	[smem:$0x3FB2] =	sst s5  }
0xe: {  	[smem:$0x3FB3] =	sst s6  }
0xf: {  	[smem:$0x3FB4] =	sst s7  }
0x10: {  	[smem:$0x3FB5] =	sst s8  }
0x11: {  	[smem:$0x3FB6] =	sst s9;
	s0 =	simm.s32 @!p0 $0x0  }
0x12: {  	s1 =	sld [smem:$0x3F9C];
	s0 =	simm.s32 @p0 $0x1  }
0x13: {  	[smem:$0x3FB7] =	sst s0;
	s0 =	simm.s32 @!p1 $0x0  }
0x14: {  	s2 =	sld [smem:$0x3F9B];
	s0 =	simm.s32 @p1 $0x1  }
0x15: {  	[smem:$0x3FB8] =	sst s0;
	s0 =	simm.s32 @!p2 $0x0  }
0x16: {  	s3 =	sld [smem:$0x3FDB];
	s0 =	simm.s32 @p2 $0x1  }
0x17: {  	s4 =	simm.s32 $0x1BF5;
	[smem:$0x3FBA] =	sst s0  }
0x18: {  	s0 =	sld [smem:$0x3F9D];
	_ =	swait.ge [sflag:s4], $0x0  }
0x19: {  	s7 =	sld [smem:$0x3F9E]  }
0x1a: {  	s8 =	sadd.s32 $0xFFFFE003, lr  }
0x1b: {  	s9 =	sadd.s32 $0xFFFFFEF7, lr;
	s5 =	simm.s32 $0xFFFFFFFF;
	p2 =	slt.u32 s8, $0xFFFFF086  }
0x1c: {  	p1 =	slt.u32 s9, $0xF7A;
	s5 =	simm.s32 @!p2 $0x0  }
0x1d: {  	s5 =	simm.s32 @p1 $0x1;
	p0 =	seq.s32 s7, s2  }
0x1e: {  	s7 =	smul.u32 @!p0 $0xF7A, s2;
	p2 =	seq.s32 @!p0 s5, $0x0  }
0x1f: {  	s9 =	smul.u32 $0xF7A, s1;
	s8 =	simm.s32 @!p0 $0x1BF5;
	p2 =	por !p2, p0  }
0x20: {  	[sflag:s8] =	ssyncset.s32 @!p0 $0xFFFFF086;
	s6 =	sadd.s32 @!p0 s3, s7;
	s7 =	simm.s32 @!p0 $0x108  }
0x21: {  	s3 =	sadd.s32 s3, s9;
	s6 =	sadd.s32 @!p0 $0x88, s6;
	s7 =	simm.s32 @p2 $0x1082  }
0x22: {  	[simem:s7], [sflag:s8] =	dma.local @!p0 [hbm:s6], $0xF7A  }
0x23: {  	s9 =	sor.u32 $0xD0000000, s2;
	s6 =	simm.s32 $0x108;
	_ =	swait.ge @!p0 [sflag:s8], $0x0  }
0x24: {  	s3 =	sadd.s32 $0x88, s3;
	s6 =	simm.s32 @!p1 $0x1082;
	[sflag:s4] =	ssyncset.s32 $0xFFFFF086  }
0x25: {  	[simem:s6], [sflag:s4] =	dma.local [hbm:s3], $0xF7A  }
0x26: {  	[smem:$0x3F9E] =	sst s1;
	(tag) =	ssettag s2;
	_ =	strace s9  }
0x27: {  	s1 =	sld [smem:$0x3FAE]  }
0x28: {  	s2 =	sld [smem:$0x3FAF]  }
0x29: {  	s4 =	sld [smem:$0x3FB1]  }
0x2a: {  	p0 =	seq.s32 s5, $0x0;
	s5 =	sld [smem:$0x3FB2]  }
0x2b: {  	s6 =	sld [smem:$0x3FB3]  }
0x2c: {  	s7 =	sld [smem:$0x3FB4]  }
0x2d: {  	s3 =	simm.s32 $0x108;
	s8 =	sld [smem:$0x3FB5]  }
0x2e: {  	s3 =	simm.s32 @!p0 $0x1082;
	s9 =	sld [smem:$0x3FB6]  }
0x2f: {  	lr =	sadd.s32 s0, s3;
	s0 =	sld [smem:$0x3FAD]  }
0x30: {  	s3 =	sld [smem:$0x3FB0]  }
0x31: {  	[smem:$0x3FB9] =	sst s10  }
0x32: {  	s10 =	sld [smem:$0x3FB7];
	_ =	sdelay $0x3  }
0x33: {  	p0 =	seq.s32 s10, $0x1;
	s10 =	sld [smem:$0x3FB9];
	_ =	sdelay $0x3  }
0x34: {  	[smem:$0x3FB9] =	sst s10  }
0x35: {  	s10 =	sld [smem:$0x3FB8];
	_ =	sdelay $0x3  }
0x36: {  	p1 =	seq.s32 s10, $0x1;
	s10 =	sld [smem:$0x3FB9];
	_ =	sdelay $0x3  }
0x37: {  	[smem:$0x3FB9] =	sst s10  }
0x38: {  	s10 =	sld [smem:$0x3FBA]  }
0x39: {  	_ = 	snop;
	(pc) =	sbr.ind lr, $3  }
0x3a: {  	_ = 	snop  }
0x3b: {  	_ = 	snop  }
0x3c: {  	p2 =	seq.s32 s10, $0x1;
	s10 =	sld [smem:$0x3FB9]  }
0x3d: {  	_ =	shalt  }
0x3e: {  	_ =	shalt  }
0x3f: {  	_ =	shalt  }
0x40: {  	_ =	shalt  }
0x41: {  	_ =	shalt  }
0x42: {  	_ =	shalt  }
0x43: {  	_ =	shalt  }
0x44: {  	_ =	shalt  }
0x45: {  	_ =	shalt  }
0x46: {  	_ =	shalt  }
0x47: {  	_ =	shalt  }
0x48: {  	_ =	shalt  }
0x49: {  	_ =	shalt  }
0x4a: {  	_ =	shalt  }
0x4b: {  	_ =	shalt  }
0x4c: {  	_ =	shalt  }
0x4d: {  	_ =	shalt  }
0x4e: {  	_ =	shalt  }
0x4f: {  	_ =	shalt  }
0x50: {  	_ =	shalt  }
0x51: {  	_ =	shalt  }
0x52: {  	_ =	shalt  }
0x53: {  	_ =	shalt  }
0x54: {  	_ =	shalt  }
0x55: {  	_ =	shalt  }
0x56: {  	_ =	shalt  }
0x57: {  	_ =	shalt  }
0x58: {  	_ =	shalt  }
0x59: {  	_ =	shalt  }
0x5a: {  	_ =	shalt  }
0x5b: {  	_ =	shalt  }
0x5c: {  	_ =	shalt  }
0x5d: {  	_ =	shalt  }
0x5e: {  	_ =	shalt  }
0x5f: {  	_ =	shalt  }
0x60: {  	_ =	shalt  }
0x61: {  	_ =	shalt  }
0x62: {  	_ =	shalt  }
0x63: {  	_ =	shalt  }
0x64: {  	_ =	shalt  }
0x65: {  	_ =	shalt  }
0x66: {  	_ =	shalt  }
0x67: {  	_ =	shalt  }
0x68: {  	_ =	shalt  }
0x69: {  	_ =	shalt  }
0x6a: {  	_ =	shalt  }
0x6b: {  	_ =	shalt  }
0x6c: {  	_ =	shalt  }
0x6d: {  	_ =	shalt  }
0x6e: {  	_ =	shalt  }
0x6f: {  	_ =	shalt  }
0x70: {  	_ =	shalt  }
0x71: {  	_ =	shalt  }
0x72: {  	_ =	shalt  }
0x73: {  	_ =	shalt  }
0x74: {  	_ =	shalt  }
0x75: {  	_ =	shalt  }
0x76: {  	_ =	shalt  }
0x77: {  	_ =	shalt  }
0x78: {  	_ =	shalt  }
0x79: {  	_ =	shalt  }
0x7a: {  	_ =	shalt  }
0x7b: {  	_ =	shalt  }
0x7c: {  	_ =	shalt  }
0x7d: {  	_ =	shalt  }
0x7e: {  	_ =	shalt  }
0x7f: {  	_ =	shalt  }
0x80: {  	_ =	shalt  }
0x81: {  	_ =	shalt  }
0x82: {  	_ =	shalt  }
0x83: {  	_ =	shalt  }
0x84: {  	_ =	shalt  }
0x85: {  	_ =	shalt  }
0x86: {  	_ =	shalt  }
0x87: {  	_ =	shalt  }
.Lfunc_end0:
.L_simem_size_0:
called_computation_lowered:
.L_overlay_start_0:
0x88: {  	s2 =	sld [smem:$0x3FD9]  }
0x89: {  	s3 =	sld [smem:$0x3FFE];
	_ =	sdelay $0x1  }
0x8a: {  	s1 =	srdreg.scid  }
0x8b: {  	s0 =	sand.u32 $0x1, s1  }
0x8c: {  	s17 =	sshll.u32 s0, $0xA;
	s2 =	sadd.s32 s3, s2  }
0x8d: {  	s2 =	sadd.s32 s2, s17  }
0x8e: {  	[smem:$0x3FC5] =	sst s2  }
0x8f: {  	_ = 	snop  }
0x90: {  	s2 =	sld [smem:$0x3FC8]  }
0x91: {  	s18 =	sld [smem:$0x3FC7];
	(tm) =	ssettm $0x1  }
0x92: {  	s4 =	sld [smem:$0x3FFB];
	_ =	sdelay $0x3  }
0x93: {  	_ =	strace s4  }
0x94: {  	s4 =	sld [smem:$0x3FFC];
	_ =	sdelay $0x3  }
0x95: {  	_ =	strace s4  }
0x96: {  	s4 =	sld [smem:$0x3FFD];
	_ =	sdelay $0x3  }
0x97: {  	_ =	strace s4  }
0x98: {  	_ =	strace $0x8FFFFFFF  }
0x99: {  	s19 =	sld [smem:$0x3FDB];
	_ =	sdelay $0x1  }
0x9a: {  	s5 =	simm.s32 $_scs_section_size  }
0x9b: {  	s6 =	simm.s32 $_size__tile_overlayer_lowered;
	s7 =	simm.s32 $_tile_overlayer_lowered  }
0x9c: {  	s22 =	simm.s32 $0x1BFF;
	s21 =	sshll.u32 s7, $0x1;
	s4 =	sadd.s32 s5, s19  }
0x9d: {  	s8 =	simm.s32 $0x0;
	s20 =	sshll.u32 s6, $0x1;
	s6 =	sadd.s32 s21, s4  }
0x9e: {  	[timem:s8], [sflag:s22] =	dma.local [hbm:s6], s20  }
0x9f: {  	_ =	swait.ge [sflag:s22], s20  }
0xa0: {  	s5 =	ssub.s32 $0x0, s20;
	[sflag:s22] =	ssyncset.done $0x0  }
0xa1: {  	[sflag:s22] =	ssyncadd.s32 s5;
	_ =	sdelay $0x1  }
0xa2: {  	s23 =	simm.s32 $0x1B8B  }
0xa3: {  	_ =	swait.ge [sflag:s23], $0x1  }
0xa4: {  	[sflag:s23] =	ssyncset.done $0x0  }
0xa5: {  	s25 =	simm.s32 $0x1B8E;
	s24 =	sld [smem:$0x3FFE];
	[sflag:s23] =	ssyncadd.s32 $0xFFFFFFFF  }
0xa6: {  	s26 =	simm.s32 $execute0_lowered;
	[smem:$0x3FD2] =	sst s25  }
0xa7: {  	s6 =	sshll.u32 s26, $0x1;
	_ =	strace $0x80000046;
	[dreg:$0x1] =	wrdreg $0xFFFFFFFF  }
0xa8: {  	s28 =	simm.s32 $_size_execute0_lowered;
	s4 =	sadd.s32 s4, s6;
	[dreg:$0x0] =	wrdreg $0x0  }
0xa9: {  	s6 =	sshll.u32 s28, $0x1;
	[dreg:$0x2] =	wrdreg s4  }
0xaa: {  	[dreg:$0x3] =	wrdreg s6  }
0xab: {  	[dreg:$0x4] =	wrdreg $0xC0  }
0xac: {  	_ =	task [dreg:s8], $0x5FFFF  }
0xad: {  	[dreg:$0x1] =	wrdreg $0xFFFFFFFF  }
0xae: {  	[dreg:$0x0] =	wrdreg $0x60  }
0xaf: {  	[dreg:$0x2] =	wrdreg s24  }
0xb0: {  	[dreg:$0x3] =	wrdreg s2  }
0xb1: {  	[dreg:$0x4] =	wrdreg s18  }
0xb2: {  	[dreg:$0x5] =	wrdreg $0x9  }
0xb3: {  	_ =	task.clear_ibuf [dreg:s8], $0x6FFFF;
	_ =	strace $0x90000046  }
0xb4: {  	s29 =	simm.s32 $0x9;
	_ =	strace $0x80000048  }
0xb5: {  	_ =	swait.ge [sflag:s29], $0x1  }
0xb6: {  	[sflag:s29] =	ssyncadd.s32 $0xFFFFFFFF  }
0xb7: {  	_ =	strace $0x90000048  }
0xb8: {  	_ =	sfence  }
0xb9: {  	s30 =	sld [smem:$0x0];
	_ =	sdelay $0x2  }
0xba: {  	s31 =	sshll.u32 s1, $0xD;
	s1 =	sshrl.u32 s1, $0x2  }
0xbb: {  	s3 =	sand.u32 $0x4000, s31;
	s1 =	sadd.s32 s1, s30  }
0xbc: {  	s0 =	sor.u32 s3, s0;
	s1 =	sshll.u32 s1, $0x11  }
0xbd: {  	s0 =	sor.u32 s1, s0  }
0xbe: {  	s0 =	sadd.s32 $0x8F2B, s0  }
0xbf: {  	[sflag:s0] =	ssyncadd.remote.s32 $0x1  }
0xc0: {  	_ =	sfence.sel $0xFFFF  }
0xc1: {  	[dreg:$0x0] =	wrdreg $0xFFFFFFFF;
	(pc) =	sbr.abs _section_cstart, $3  }
0xc2: {  	[dreg:$0x1] =	wrdreg $0xFFFFFFFF  }
0xc3: {  	_ =	task.clear_ibuf [dreg:s8], $0x2FFFF;
	_ =	strace $0x9FFFFFFF  }
0xc4: {  	(tm) =	ssettm $0x7FFFFFFF  }
0xc5: {  	_ =	shalt  }
tec
execute0_lowered:
.L_overlay_start_1:
0x0: {  	(tag) =	ssettag $0x1  }
0x1: {  	v0 =	vimm.s32 $0x3B2A1908;
	v1 =	vimm.s32 $0x7F6E5D4C;
	vm0 =	vcmask $0x1F10  }
0x2: {  	v2 =	vimm.s32 $0x3C2B1A09;
	v3 =	vimm.s32 $0x706F5E4D;
	v4 =	vimm.s32 $0x34231201  }
0x3: {  	v5 =	vimm.s32 $0x78675645;
	v6 =	vimm.s32 $0x36251403;
	v7 =	vimm.s32 $0x7A695847  }
0x4: {  	v8 =	vimm.s32 $0x3F2E1D0C;
	v14 =	vimm.s32 $0x73625140;
	v18 =	vimm.s32 $0x7C6B5A49  }
0x5: {  	v23 =	vimm.s32 $0x7E6D5C4B;
	v63 =	vlaneseq.u32;
	v0 =	vunpack.c.0.s8.s32 v0  }
0x6: {  	v1 =	vunpack.c.0.s8.s32 v1;
	v2 =	vunpack.c.0.s8.s32 v2;
	v3 =	vunpack.c.0.s8.s32 v3  }
0x7: {  	v6 =	vunpack.c.0.s8.s32 v6;
	v7 =	vunpack.c.0.s8.s32 v7;
	v8 =	vunpack.c.0.s8.s32 v8  }
0x8: {  	v14 =	vunpack.c.0.s8.s32 v14;
	v23 =	vunpack.c.0.s8.s32 v23;
	v9 =	vsel vm0, v1, v0  }
0x9: {  	v0 =	vimm.s32 $0x33221100;
	v1 =	vimm.s32 $0x77665544;
	v11 =	vsel vm0, v3, v2  }
0xa: {  	v2 =	vimm.s32 $0x3D2C1B0A;
	v3 =	vimm.s32 $0x71605F4E;
	v17 =	vsel vm0, v7, v6  }
0xb: {  	v14 =	vsel vm0, v14, v8;
	v6 =	vimm.s32 $0x302F1E0D;
	v7 =	vimm.s32 $0x74635241  }
0xc: {  	v8 =	vimm.s32 $0x38271605;
	v0 =	vunpack.c.0.s8.s32 v0;
	v1 =	vunpack.c.0.s8.s32 v1  }
0xd: {  	v2 =	vunpack.c.0.s8.s32 v2;
	v3 =	vunpack.c.0.s8.s32 v3;
	v6 =	vunpack.c.0.s8.s32 v6  }
0xe: {  	v10 =	vsel vm0, v1, v0;
	v0 =	vunpack.c.0.s8.s32 v4;
	v1 =	vunpack.c.0.s8.s32 v5  }
0xf: {  	v13 =	vsel vm0, v3, v2;
	v2 =	vimm.s32 $0x35241302;
	v3 =	vimm.s32 $0x79685746  }
0x10: {  	v4 =	vimm.s32 $0x3E2D1C0B;
	v5 =	vimm.s32 $0x7261504F;
	v2 =	vunpack.c.0.s8.s32 v2  }
0x11: {  	v3 =	vunpack.c.0.s8.s32 v3;
	v4 =	vunpack.c.0.s8.s32 v4;
	v5 =	vunpack.c.0.s8.s32 v5  }
0x12: {  	v12 =	vsel vm0, v1, v0;
	v0 =	vcombine.low v10, v9;
	v9 =	vcombine.low v9, v10  }
0x13: {  	v1 =	vcombine.low v12, v11;
	v15 =	vsel vm0, v3, v2;
	v16 =	vsel vm0, v5, v4  }
0x14: {  	v4 =	vimm.s32 $0x37261504;
	v5 =	vimm.s32 $0x7B6A5948;
	v10 =	vcombine.low v11, v12  }
0x15: {  	v2 =	vcombine.low v15, v13;
	v4 =	vunpack.c.0.s8.s32 v4;
	v5 =	vunpack.c.0.s8.s32 v5  }
0x16: {  	v7 =	vunpack.c.0.s8.s32 v7;
	v3 =	vcombine.low v17, v16;
	v11 =	vcombine.low v13, v15  }
0x17: {  	s4 =	rddreg [dreg:$0x0];
	v12 =	vcombine.low v16, v17;
	v19 =	vsel vm0, v5, v4;
	v4 =	vunpack.c.0.s8.s32 v8  }
0x18: {  	s5 =	rddreg [dreg:$0x1];
	v5 =	vunpack.c.0.s8.s32 v18;
	v18 =	vsel vm0, v7, v6;
	v6 =	vimm.s32 $0x31201F0E  }
0x19: {  	s1 =	rddreg [dreg:$0x2];
	v7 =	vimm.s32 $0x75645342;
	v8 =	vimm.s32 $0x3221100F;
	v6 =	vunpack.c.0.s8.s32 v6  }
0x1a: {  	s0 =	rddreg [dreg:$0x3];
	s6 =	srdreg.scid;
	v7 =	vunpack.c.0.s8.s32 v7;
	v20 =	vsel vm0, v5, v4;
	v4 =	vimm.s32 $0x39281706  }
0x1b: {  	s2 =	stileid.u32;
	s3 =	simm.s32 $0x0;
	s11 =	simm.s32 $0x1;
	v8 =	vunpack.c.0.s8.s32 v8;
	v5 =	vimm.s32 $0x7D6C5B4A;
	v21 =	vunpack.c.0.s8.s32 v4  }
0x1c: {  	s12 =	simm.s32 $0x10400;
	s6 =	sand.u32 $0x1, s6;
	s7 =	sshll.u32 s2, $0x1;
	v22 =	vunpack.c.0.s8.s32 v5;
	v4 =	vimm.s32 $0x76655443;
	v5 =	vimm.s32 $0x3A291807  }
0x1d: {  	s13 =	simm.s32 $0x0;
	[smem:$0x7FF] =	sst s3;
	s7 =	sor.u32 s6, s7;
	v26 =	vsel vm0, v7, v6;
	v15 =	vcombine.low v18, v20;
	v24 =	vunpack.c.0.s8.s32 v4  }
0x1e: {  	_ =	strace $0x80000047;
	s6 =	ssub.s32 $0x2, s6;
	s8 =	sshll.u32 s7, $0x6;
	v25 =	vunpack.c.0.s8.s32 v5;
	v4 =	vcombine.low v19, v14;
	v5 =	vcombine.low v20, v18  }
0x1f: {  	s7 =	sshll.u32 s7, $0x1;
	s10 =	sshrl.u32 s6, $0x1;
	s9 =	sadd.s32 s8, s4;
	v14 =	vcombine.low v14, v19;
	v21 =	vsel vm0, v22, v21;
	v62 =	vsel vm0, v24, v8  }
0x20: {  	s7 =	sadd.s32 s7, s4;
	s10 =	ssub.s32 s6, s10;
	s4 =	sadd.s32 s5, s8;
	v23 =	vsel vm0, v23, v25;
	v6 =	vcombine.low v21, v26;
	v24 =	vand.u32 $0x7, v63  }
0x21: {  	s8 =	simm.s32 $0x2;
	s5 =	sadd.s32 $0x200, s9;
	s6 =	sadd.s32 $0xA00, s7;
	v8 =	vshrl.u32 v63, $0x3;
	v17 =	vcombine.low v26, v21;
	v16 =	vmul.u32 $0x10, v24  }
0x22: {  	s7 =	smax.u32 s10, $0x1;
	s9 =	simm.s32 $0x10200;
	s10 =	simm.s32 $0x200;
	v7 =	vcombine.low v23, v62;
	v13 =	vmul.u32 $0x4, v24;
	v18 =	vcombine.low v62, v23  }
.LBB2_1:
0x23: {  	[tilespmem:s3], [sflag:$0x2] =	stream.linear.gather [hbm4b:s4+s3], $0x200, $0x38;
	[tilespmem:$0x10480] =	vst v63  }
0x24: {  	_ =	swait.ge [sflag:s8], $0x200  }
0x25: {  	[sflag:s8] =	ssyncset.done $0x0  }
0x26: {  	[sflag:s8] =	ssyncadd.s32 $0xFFFFFE00  }
0x27: {  	[tilespmem:s9], [sflag:$0x2] =	stream.linear.gather [hbm4b:s5+s3], $0x200, $0x38;
	[tilespmem:$0x10480] =	vst v63  }
0x28: {  	v19 =	vor.u32 s3, v8;
	_ =	swait.ge [sflag:s8], $0x200  }
0x29: {  	v20 =	vshll.u32 v19, $0x7;
	[sflag:s8] =	ssyncset.done $0x0  }
0x2a: {  	v21 =	vor.u32 v0, v20;
	[sflag:s8] =	ssyncadd.s32 $0xFFFFFE00  }
0x2b: {  	v22 =	vor.u32 v1, v20;
	[tilespmem:s10], [sflag:$0x1] =	stream.indirect.gather [hbm4b:s1+s10], $0x80, s3, s10, $0xb8;
	[tilespmem:$0x10480] =	vst v63  }
0x2c: {  	v23 =	vor.u32 v14, v20;
	_ =	swait.ge [sflag:s11], $0x10000  }
0x2d: {  	v24 =	vor.u32 v2, v20;
	[sflag:s11] =	ssyncset.done $0x0  }
0x2e: {  	v25 =	vor.u32 v7, v20;
	[sflag:s11] =	ssyncadd.s32 $0xFFFF0000  }
0x2f: {  	v26 =	vor.u32 v17, v20;
	v21 =	vld.idx.msk [tilespmem:v21+s10+$0x0], $0xffff  }
0x30: {  	v27 =	vor.u32 v10, v20;
	v22 =	vld.idx.msk [tilespmem:v22+s10+$0x0], $0xffff  }
0x31: {  	v28 =	vor.u32 v15, v20;
	v23 =	vld.idx.msk [tilespmem:v23+s10+$0x0], $0xffff  }
0x32: {  	v29 =	vor.u32 v6, v20;
	v24 =	vld.idx.msk [tilespmem:v24+s10+$0x0], $0xffff  }
0x33: {  	v30 =	vor.u32 v9, v20;
	v25 =	vld.idx.msk [tilespmem:v25+s10+$0x0], $0xffff  }
0x34: {  	v31 =	vor.u32 v3, v20;
	v26 =	vld.idx.msk [tilespmem:v26+s10+$0x0], $0xffff;
	v21 =	vmul.f32 $1.442695020e+00, v21  }
0x35: {  	v32 =	vor.u32 v18, v20;
	v27 =	vld.idx.msk [tilespmem:v27+s10+$0x0], $0xffff;
	v22 =	vmul.f32 $1.442695020e+00, v22  }
0x36: {  	v33 =	vor.u32 v12, v20;
	v23 =	vmul.f32 $1.442695020e+00, v23;
	(erf) = vpow2.f32 v21;
	v21 =	vld.idx.msk [tilespmem:v28+s10+$0x0], $0xffff  }
0x37: {  	v29 =	vld.idx.msk [tilespmem:v29+s10+$0x0], $0xffff;
	v24 =	vmul.f32 $1.442695020e+00, v24;
	v28 =	vor.u32 v11, v20;
	(erf) = vpow2.f32 v22  }
0x38: {  	v25 =	vmul.f32 $1.442695020e+00, v25;
	(erf) = vpow2.f32 v23;
	v23 =	vld.idx.msk [tilespmem:v30+s10+$0x0], $0xffff  }
0x39: {  	v31 =	vld.idx.msk [tilespmem:v31+s10+$0x0], $0xffff;
	v22 =	vor.u32 v4, v20;
	(erf) = vpow2.f32 v24  }
0x3a: {  	v26 =	vmul.f32 $1.442695020e+00, v26;
	v30 =	vor.u32 v5, v20;
	v24 =	vld.idx.msk [tilespmem:v32+s10+$0x0], $0xffff;
	(erf) = vpow2.f32 v25  }
0x3b: {  	v25 =	vmul.f32 $1.442695020e+00, v27;
	v27 =	vld.idx.msk [tilespmem:v33+s10+$0x0], $0xffff;
	v21 =	vmul.f32 $1.442695020e+00, v21  }
0x3c: {  	(erf) = vpow2.f32 v26;
	v26 =	vld.idx.msk [tilespmem:v28+s10+$0x0], $0xffff;
	v28 =	vmul.f32 $1.442695020e+00, v29  }
0x3d: {  	s14 =	simm.s32 $0x2;
	(erf) = vpow2.f32 v25;
	v23 =	vmul.f32 $1.442695020e+00, v23  }
0x3e: {  	v29 =	vor.u32 s14, v8;
	v22 =	vld.idx.msk [tilespmem:v22+s10+$0x0], $0xffff;
	(erf) = vpow2.f32 v21;
	v21 =	vmul.f32 $1.442695020e+00, v31  }
0x3f: {  	v25 =	vld.idx.msk [tilespmem:v30+s10+$0x0], $0xffff;
	v30 =	vshll.u32 v29, $0x7;
	(erf) = vpow2.f32 v28;
	v24 =	vmul.f32 $1.442695020e+00, v24  }
0x40: {  	v31 =	vor.u32 v0, v30;
	v28 =	vpop (erf);
	(erf) = vpow2.f32 v23  }
0x41: {  	v19 =	vld.idx.msk [tilespmem:v19+s9+$0x0], $0xffff;
	v35 =	vor.u32 v14, v30;
	v23 =	vmul.f32 $1.442695020e+00, v27;
	v27 =	vpop (erf);
	(erf) = vpow2.f32 v21  }
0x42: {  	v21 =	vmul.f32 $1.442695020e+00, v26;
	v26 =	vpop (erf);
	(erf) = vpow2.f32 v24  }
0x43: {  	v58 =	vor.u32 v2, v30;
	v22 =	vmul.f32 $1.442695020e+00, v22;
	v24 =	vpop (erf);
	(erf) = vpow2.f32 v23  }
0x44: {  	v23 =	vmul.f32 $1.442695020e+00, v25;
	v25 =	vor.u32 v1, v30;
	v59 =	vpop (erf);
	(erf) = vpow2.f32 v21  }
0x45: {  	v38 =	vor.u32 v3, v30;
	v21 =	vor.u32 v17, v30;
	v31 =	vld.idx.msk [tilespmem:v31+s10+$0x0], $0xffff;
	v34 =	vpop (erf);
	(erf) = vpow2.f32 v22  }
0x46: {  	v40 =	vor.u32 v6, v30;
	v35 =	vld.idx.msk [tilespmem:v35+s10+$0x0], $0xffff;
	v22 =	vshrl.u32 v19, v13;
	v36 =	vpop (erf);
	(erf) = vpow2.f32 v23  }
0x47: {  	v39 =	vor.u32 v5, v30;
	v29 =	vld.idx.msk [tilespmem:v29+s9+$0x0], $0xffff;
	v22 =	vand.u32 $0xF, v22;
	v23 =	vor.u32 v4, v30;
	v37 =	vpop (erf)  }
0x48: {  	v20 =	vor.u32 v22, v20;
	v22 =	vadd.f32 v27, v28;
	v27 =	vor.u32 v7, v30;
	v28 =	vld.idx.msk [tilespmem:v58+s10+$0x0], $0xffff;
	v60 =	vpop (erf)  }
0x49: {  	v43 =	vor.u32 v9, v30;
	v44 =	vor.u32 v10, v30;
	v61 =	vor.u32 v12, v30;
	v41 =	vld.idx.msk [tilespmem:v25+s10+$0x0], $0xffff;
	v42 =	vpop (erf)  }
0x4a: {  	v45 =	vor.u32 v11, v30;
	v46 =	vor.u32 v15, v30;
	v21 =	vld.idx.msk [tilespmem:v21+s10+$0x0], $0xffff;
	v31 =	vmul.f32 $1.442695020e+00, v31;
	v25 =	vpop (erf)  }
0x4b: {  	v48 =	vld.idx.msk [tilespmem:v40+s10+$0x0], $0xffff;
	v26 =	vadd.f32 v37, v26;
	v32 =	vadd.f32 v59, v60;
	v35 =	vmul.f32 $1.442695020e+00, v35;
	v47 =	vpop (erf)  }
0x4c: {  	v36 =	vadd.f32 v36, v42;
	v23 =	vld.idx.msk [tilespmem:v23+s10+$0x0], $0xffff;
	v24 =	vadd.f32 v25, v24;
	v25 =	vor.u32 v16, v20;
	v62 =	vpop (erf)  }
0x4d: {  	v20 =	vor.u32 v18, v30;
	v34 =	vadd.f32 v47, v34;
	v27 =	vld.idx.msk [tilespmem:v27+s10+$0x0], $0xffff;
	(erf) = vpow2.f32 v31;
	v63 =	vpop (erf)  }
0x4e: {  	v53 =	vld.idx.msk [tilespmem:v61+s10+$0x0], $0xffff;
	v28 =	vmul.f32 $1.442695020e+00, v28;
	v22 =	vadd.f32 v24, v22;
	v50 =	vmul.f32 $1.442695020e+00, v41;
	v31 =	vpop (erf)  }
0x4f: {  	v24 =	vld.idx.msk [tilespmem:v38+s10+$0x0], $0xffff;
	v26 =	vadd.f32 v34, v26;
	v33 =	vadd.f32 v62, v63;
	v21 =	vmul.f32 $1.442695020e+00, v21;
	v49 =	vpop (erf)  }
0x50: {  	v51 =	vld.idx.msk [tilespmem:v44+s10+$0x0], $0xffff;
	v34 =	vmul.f32 $1.442695020e+00, v48;
	(erf) = vpow2.f32 v50;
	v31 =	vadd.f32 v49, v31  }
0x51: {  	v52 =	vld.idx.msk [tilespmem:v46+s10+$0x0], $0xffff;
	v33 =	vadd.f32 v33, v36;
	v23 =	vmul.f32 $1.442695020e+00, v23;
	(erf) = vpow2.f32 v35  }
0x52: {  	v54 =	vld.idx.msk [tilespmem:v43+s10+$0x0], $0xffff;
	v27 =	vmul.f32 $1.442695020e+00, v27;
	(erf) = vpow2.f32 v28;
	v31 =	vadd.f32 v32, v31  }
0x53: {  	v20 =	vld.idx.msk [tilespmem:v20+s10+$0x0], $0xffff;
	v28 =	vshrl.u32 v29, v13;
	v29 =	vmul.f32 $1.442695020e+00, v53;
	v26 =	vadd.f32 v26, v33  }
0x54: {  	s30 =	simm.s32 $0x4;
	v24 =	vmul.f32 $1.442695020e+00, v24;
	(erf) = vpow2.f32 v27;
	v22 =	vadd.f32 v31, v22  }
0x55: {  	v57 =	vor.u32 s30, v8;
	v27 =	vmul.f32 $1.442695020e+00, v51;
	(erf) = vpow2.f32 v21  }
0x56: {  	v55 =	vld.idx.msk [tilespmem:v45+s10+$0x0], $0xffff;
	v21 =	vand.u32 $0xF, v28;
	v22 =	vadd.f32 v26, v22;
	v26 =	vmul.f32 $1.442695020e+00, v52  }
0x57: {  	v28 =	vld.idx.msk [tilespmem:v39+s10+$0x0], $0xffff;
	v31 =	vmul.f32 $1.442695020e+00, v54;
	(erf) = vpow2.f32 v27;
	v21 =	vor.u32 v21, v30  }
0x58: {  	v20 =	vmul.f32 $1.442695020e+00, v20;
	v27 =	vand.u32 $0x7FFFFF, v22;
	(erf) = vpow2.f32 v26  }
0x59: {  	v27 =	vor.u32 $0x3F800000, v27;
	(erf) = vpow2.f32 v34;
	v34 =	vshll.u32 v57, $0x7  }
0x5a: {  	v56 =	vpop (erf);
	v30 =	vadd.f32 $1.000000000e+00, v27;
	(erf) = vpow2.f32 v31;
	v60 =	vor.u32 v17, v34  }
0x5b: {  	v26 =	vmul.f32 $1.442695020e+00, v55;
	v31 =	vpop (erf);
	v62 =	vor.u32 v14, v34;
	(erf) = vpow2.f32 v24  }
0x5c: {  	v63 =	vor.u32 v7, v34;
	v24 =	vmul.f32 $1.442695020e+00, v28;
	v28 =	vpop (erf);
	(erf) = vrcp.f32 v30  }
0x5d: {  	v48 =	vor.u32 v12, v34;
	v58 =	vpop (erf);
	(erf) = vpow2.f32 v20  }
0x5e: {  	v33 =	vld.idx.msk [tilespmem:v57+s9+$0x0], $0xffff;
	v57 =	vor.u32 v11, v34;
	v59 =	vpop (erf);
	(erf) = vpow2.f32 v29  }
0x5f: {  	v30 =	vadd.f32 v31, v56;
	v31 =	vor.u32 v0, v34;
	(erf) = vpow2.f32 v26;
	v26 =	vpop (erf);
	v38 =	vld.idx.msk [tilespmem:v60+s10+$0x0], $0xffff  }
0x60: {  	v20 =	vor.u32 v2, v34;
	v40 =	vld.idx.msk [tilespmem:v62+s10+$0x0], $0xffff;
	(erf) = vpow2.f32 v23;
	v23 =	vpop (erf)  }
0x61: {  	v41 =	vld.idx.msk [tilespmem:v63+s10+$0x0], $0xffff;
	(erf) = vpow2.f32 v24;
	v24 =	vpop (erf)  }
0x62: {  	v19 =	vimm.f32 $0.0e+00;
	v22 =	vshrl.u32 v22, $0x17;
	v29 =	vor.u32 v1, v34;
	v62 =	vld.idx.msk [tilespmem:v48+s10+$0x0], $0xffff;
	v55 =	vpop (erf)  }
0x63: {  	v33 =	vshrl.u32 v33, v13;
	v36 =	vor.u32 v3, v34;
	v48 =	vld.idx.msk [tilespmem:v57+s10+$0x0], $0xffff;
	v24 =	vadd.f32 v24, v28;
	v28 =	vpop (erf)  }
0x64: {  	v37 =	vor.u32 v5, v34;
	v61 =	vor.u32 v6, v34;
	v50 =	vor.u32 v15, v34;
	v31 =	vld.idx.msk [tilespmem:v31+s10+$0x0], $0xffff;
	v49 =	vpop (erf)  }
0x65: {  	v54 =	vor.u32 v4, v34;
	v56 =	vld.idx.msk [tilespmem:v20+s10+$0x0], $0xffff;
	v20 =	vor.u32 v16, v21;
	v21 =	vadd.s32 $0xFFFFFF81, v22;
	v22 =	vpop (erf)  }
0x66: {  	v45 =	vor.u32 v10, v34;
	v27 =	vadd.f32 $-1.000000000e+00, v27;
	v32 =	vadd.f32 v49, v58;
	v58 =	vpop (erf)  }
0x67: {  	v29 =	vld.idx.msk [tilespmem:v29+s10+$0x0], $0xffff;
	v21 =	vcvt.s32.f32 v21;
	v38 =	vmul.f32 $1.442695020e+00, v38;
	v26 =	vadd.f32 v58, v26  }
0x68: {  	v51 =	vor.u32 v18, v34;
	v53 =	vmul.f32 $1.442695020e+00, v62;
	v22 =	vmul.f32 v22, v27  }
0x69: {  	v50 =	vld.idx.msk [tilespmem:v50+s10+$0x0], $0xffff;
	v35 =	vadd.f32 v59, v55;
	v49 =	vmul.f32 $1.442695020e+00, v41;
	v31 =	vmul.f32 $1.442695020e+00, v31;
	v59 =	vpop (erf)  }
0x6a: {  	v23 =	vadd.f32 v23, v28;
	v27 =	vld.idx.msk [tilespmem:v54+s10+$0x0], $0xffff;
	v54 =	vmul.f32 $1.442695020e+00, v48;
	v60 =	vpop (erf);
	v52 =	vmul.f32 v22, v22  }
0x6b: {  	(erf) = vpow2.f32 v31;
	v24 =	vadd.f32 v26, v24;
	v28 =	vadd.f32 v59, v60;
	v26 =	vpop (erf)  }
0x6c: {  	v43 =	vor.u32 v9, v34;
	v39 =	vld.idx.msk [tilespmem:v61+s10+$0x0], $0xffff;
	v31 =	vmul.f32 $1.442695020e+00, v56;
	v29 =	vmul.f32 $1.442695020e+00, v29;
	v61 =	vpop (erf)  }
0x6d: {  	v36 =	vld.idx.msk [tilespmem:v36+s10+$0x0], $0xffff;
	v23 =	vadd.f32 v28, v23;
	v28 =	vmul.f32 $1.442695020e+00, v40;
	v26 =	vadd.f32 v61, v26  }
0x6e: {  	v30 =	vadd.f32 v32, v30;
	v56 =	vmul.f32 $1.442695020e+00, v50;
	(erf) = vpow2.f32 v29;
	v29 =	vld.idx.msk [tilespmem:v45+s10+$0x0], $0xffff  }
0x6f: {  	s31 =	simm.s32 $0x6;
	v46 =	vmul.f32 $1.442695020e+00, v27;
	v27 =	vld.idx.msk [tilespmem:v51+s10+$0x0], $0xffff;
	(erf) = vpow2.f32 v28;
	v26 =	vadd.f32 v35, v26  }
0x70: {  	v59 =	vor.u32 s31, v8;
	v63 =	vmul.f32 $2.857142980e-01, v52;
	(erf) = vpow2.f32 v31;
	v31 =	vld.idx.msk [tilespmem:v37+s10+$0x0], $0xffff  }
0x71: {  	v51 =	vmul.f32 $1.442695020e+00, v39;
	v23 =	vadd.f32 v24, v23;
	v24 =	vadd.f32 v26, v30;
	v30 =	vld.idx.msk [tilespmem:v43+s10+$0x0], $0xffff  }
0x72: {  	v32 =	vadd.f32 $4.000000060e-01, v63;
	v28 =	vmul.f32 $1.442695020e+00, v36;
	(erf) = vpow2.f32 v49  }
0x73: {  	(erf) = vpow2.f32 v38;
	v55 =	vadd.f32 v23, v24;
	v23 =	vmul.f32 $1.442695020e+00, v29  }
0x74: {  	v27 =	vmul.f32 $1.442695020e+00, v27;
	v26 =	vand.u32 $0xF, v33;
	v29 =	vmul.f32 v32, v52  }
0x75: {  	v24 =	vor.u32 v26, v34;
	v31 =	vmul.f32 $1.442695020e+00, v31;
	(erf) = vpow2.f32 v23  }
0x76: {  	v57 =	vpop (erf);
	v26 =	vand.u32 $0x7FFFFF, v55;
	v23 =	vmul.f32 $1.442695020e+00, v30;
	(erf) = vpow2.f32 v56  }
0x77: {  	v60 =	vadd.f32 $6.666666860e-01, v29;
	v26 =	vor.u32 $0x3F800000, v26;
	v30 =	vpop (erf);
	(erf) = vpow2.f32 v51  }
0x78: {  	v58 =	vadd.f32 $1.000000000e+00, v26;
	v30 =	vadd.f32 v30, v57;
	(erf) = vpow2.f32 v23  }
0x79: {  	v23 =	vshll.u32 v59, $0x7;
	(erf) = vpow2.f32 v28;
	v28 =	vshrl.u32 v55, $0x17  }
0x7a: {  	v61 =	vpop (erf);
	v62 =	vor.u32 v0, v23;
	v45 =	vor.u32 v1, v23;
	(erf) = vrcp.f32 v58  }
0x7b: {  	v40 =	vpop (erf);
	v63 =	vor.u32 v2, v23;
	v32 =	vor.u32 v3, v23;
	(erf) = vpow2.f32 v27  }
0x7c: {  	v38 =	vpop (erf);
	v29 =	vor.u32 v5, v23;
	v34 =	vor.u32 v6, v23;
	(erf) = vpow2.f32 v53  }
0x7d: {  	v25 =	vld.idx.msk [tilespmem:v25+s10+$0x0], $0xffff;
	v41 =	vor.u32 v7, v23;
	v47 =	vor.u32 v17, v23;
	v42 =	vpop (erf);
	(erf) = vpow2.f32 v54  }
0x7e: {  	v36 =	vor.u32 v4, v23;
	v48 =	vor.u32 v14, v23;
	v27 =	vld.idx.msk [tilespmem:v59+s9+$0x0], $0xffff;
	(erf) = vpow2.f32 v46;
	v39 =	vpop (erf)  }
0x7f: {  	v33 =	vor.u32 v9, v23;
	v37 =	vor.u32 v10, v23;
	v46 =	vld.idx.msk [tilespmem:v62+s10+$0x0], $0xffff;
	(erf) = vpow2.f32 v31;
	v31 =	vpop (erf)  }
0x80: {  	s14 =	simm.s32 $0x8;
	v35 =	vor.u32 v11, v23;
	v44 =	vld.idx.msk [tilespmem:v63+s10+$0x0], $0xffff;
	v43 =	vadd.f32 v31, v61;
	v49 =	vpop (erf);
	v31 =	vmul.f32 v60, v52  }
.LBB2_2:
0x81: {  	p0 =	sne.s32 s14, $0x1FE;
	v45 =	vld.idx.msk [tilespmem:v45+s10+$0x0], $0xffff;
	v50 =	vor.u32 v12, v23;
	v24 =	vor.u32 v16, v24;
	v51 =	vpop (erf);
	v28 =	vadd.s32 $0xFFFFFF81, v28;
	s15 =	smov.u32 s14;
	s14 =	sadd.s32 $0x2, s14  }
0x82: {  	v52 =	vor.u32 v15, v23;
	v26 =	vadd.f32 $-1.000000000e+00, v26;
	v47 =	vld.idx.msk [tilespmem:v47+s10+$0x0], $0xffff;
	v53 =	vpop (erf);
	v31 =	vadd.f32 $2.000000000e+00, v31  }
0x83: {  	v54 =	vor.u32 v18, v23;
	v56 =	vmul.f32 $6.931471820e-01, v21;
	v21 =	vcvt.s32.f32 v28;
	v48 =	vld.idx.msk [tilespmem:v48+s10+$0x0], $0xffff;
	v55 =	vpop (erf)  }
0x84: {  	v53 =	vadd.f32 v53, v40;
	v28 =	vld.idx.msk [tilespmem:v36+s10+$0x0], $0xffff;
	v40 =	vpop (erf);
	v31 =	vmul.f32 v31, v22;
	v22 =	vmul.f32 v55, v26  }
0x85: {  	v38 =	vadd.f32 v38, v49;
	v26 =	vmul.f32 $1.442695020e+00, v46;
	v41 =	vld.idx.msk [tilespmem:v41+s10+$0x0], $0xffff;
	v49 =	vadd.f32 v40, v42;
	v42 =	vpop (erf)  }
0x86: {  	v30 =	vadd.f32 v53, v30;
	v46 =	vld.idx.msk [tilespmem:v50+s10+$0x0], $0xffff;
	v36 =	vpop (erf);
	v50 =	vmul.f32 v22, v22;
	v31 =	vadd.f32 v31, v56  }
0x87: {  	v27 =	vshrl.u32 v27, v13;
	v32 =	vld.idx.msk [tilespmem:v32+s10+$0x0], $0xffff;
	(erf) = vpow2.f32 v26;
	v26 =	vadd.f32 v49, v43;
	v40 =	vpop (erf)  }
0x88: {  	v39 =	vadd.f32 v39, v51;
	v43 =	vmul.f32 $1.442695020e+00, v44;
	v36 =	vadd.f32 v42, v36;
	v34 =	vld.idx.msk [tilespmem:v34+s10+$0x0], $0xffff;
	v42 =	vpop (erf)  }
0x89: {  	v44 =	vmul.f32 $1.442695020e+00, v45;
	v45 =	vld.idx.msk [tilespmem:v52+s10+$0x0], $0xffff;
	v40 =	vadd.f32 v42, v40;
	v42 =	vmul.f32 $2.857142980e-01, v50;
	v49 =	vmovc v20;
	v20 =	vmovc v24  }
0x8a: {  	v25 =	vsub.f32 v31, v25;
	v36 =	vadd.f32 v36, v39;
	v24 =	vld.idx.msk [tilespmem:v35+s10+$0x0], $0xffff;
	v35 =	vmul.f32 $1.442695020e+00, v47  }
0x8b: {  	v31 =	vld.idx.msk [tilespmem:v37+s10+$0x0], $0xffff;
	v37 =	vmul.f32 $1.442695020e+00, v48;
	(erf) = vpow2.f32 v44;
	v39 =	vadd.f32 $4.000000060e-01, v42  }
0x8c: {  	v41 =	vmul.f32 $1.442695020e+00, v41;
	v38 =	vadd.f32 v38, v40;
	v26 =	vadd.f32 v26, v36  }
0x8d: {  	v19 =	vadd.f32 v25, v19;
	v44 =	vmul.f32 $1.442695020e+00, v28;
	v28 =	vld.idx.msk [tilespmem:v54+s10+$0x0], $0xffff;
	(erf) = vpow2.f32 v37  }
0x8e: {  	v25 =	vmul.f32 $1.442695020e+00, v32;
	v32 =	vmul.f32 $1.442695020e+00, v34;
	v30 =	vadd.f32 v38, v30;
	v33 =	vld.idx.msk [tilespmem:v33+s10+$0x0], $0xffff  }
0x8f: {  	v27 =	vand.u32 $0xF, v27;
	v36 =	vmul.f32 $1.442695020e+00, v46;
	v29 =	vld.idx.msk [tilespmem:v29+s10+$0x0], $0xffff;
	(erf) = vpow2.f32 v43  }
0x90: {  	v37 =	vmul.f32 $1.442695020e+00, v24;
	v38 =	vadd.f32 v26, v30;
	v34 =	vpop (erf);
	(erf) = vpow2.f32 v41  }
0x91: {  	v24 =	vor.u32 v27, v23;
	v27 =	vmul.f32 v39, v50;
	v23 =	vmul.f32 $1.442695020e+00, v31  }
0x92: {  	v30 =	vmul.f32 $1.442695020e+00, v45;
	v26 =	vand.u32 $0x7FFFFF, v38;
	(erf) = vpow2.f32 v35  }
0x93: {  	v31 =	vmul.f32 $1.442695020e+00, v28;
	v26 =	vor.u32 $0x3F800000, v26;
	(erf) = vpow2.f32 v23  }
0x94: {  	v23 =	vmul.f32 $1.442695020e+00, v33;
	v33 =	vadd.f32 $1.000000000e+00, v26;
	v28 =	vpop (erf);
	(erf) = vpow2.f32 v30  }
0x95: {  	v35 =	vmul.f32 $1.442695020e+00, v29;
	v30 =	vadd.f32 v28, v34;
	(erf) = vpow2.f32 v32  }
0x96: {  	v39 =	vor.u32 s15, v8;
	v51 =	vadd.f32 $6.666666860e-01, v27;
	(erf) = vpow2.f32 v23;
	v43 =	vpop (erf)  }
0x97: {  	v28 =	vshrl.u32 v38, $0x17;
	v23 =	vshll.u32 v39, $0x7;
	(erf) = vpow2.f32 v25  }
0x98: {  	v46 =	vor.u32 v0, v23;
	v45 =	vor.u32 v1, v23;
	v40 =	vpop (erf);
	(erf) = vrcp.f32 v33  }
0x99: {  	v52 =	vor.u32 v2, v23;
	v32 =	vor.u32 v3, v23;
	v38 =	vpop (erf);
	(erf) = vpow2.f32 v31  }
.Ltmp0:
0x9a: {  	v29 =	vor.u32 v5, v23;
	v34 =	vor.u32 v6, v23;
	(erf) = vpow2.f32 v36;
	(pc) =	sbr.rel @p0 .LBB2_2-.Ltmp0, $4  }
0x9b: {  	v41 =	vor.u32 v7, v23;
	v47 =	vor.u32 v17, v23;
	v27 =	vld.idx.msk [tilespmem:v39+s9+$0x0], $0xffff;
	(erf) = vpow2.f32 v37;
	v42 =	vpop (erf)  }
0x9c: {  	v48 =	vor.u32 v14, v23;
	v36 =	vor.u32 v4, v23;
	(erf) = vpow2.f32 v44;
	v39 =	vpop (erf);
	v25 =	vld.idx.msk [tilespmem:v49+s10+$0x0], $0xffff  }
0x9d: {  	v33 =	vor.u32 v9, v23;
	v37 =	vor.u32 v10, v23;
	v46 =	vld.idx.msk [tilespmem:v46+s10+$0x0], $0xffff;
	(erf) = vpow2.f32 v35;
	v31 =	vpop (erf)  }
0x9e: {  	v35 =	vor.u32 v11, v23;
	v44 =	vld.idx.msk [tilespmem:v52+s10+$0x0], $0xffff;
	v43 =	vadd.f32 v31, v43;
	v49 =	vpop (erf);
	v31 =	vmul.f32 v51, v50  }
0x9f: {  	_ =	sdelay $0x2  }
0xa0: {  	v50 =	vpop (erf)  }
0xa1: {  	v45 =	vld.idx.msk [tilespmem:v45+s10+$0x0], $0xffff;
	v51 =	vpop (erf)  }
0xa2: {  	v47 =	vld.idx.msk [tilespmem:v47+s10+$0x0], $0xffff;
	v52 =	vpop (erf)  }
0xa3: {  	v48 =	vld.idx.msk [tilespmem:v48+s10+$0x0], $0xffff;
	v53 =	vpop (erf)  }
0xa4: {  	v54 =	vor.u32 v15, v23;
	v55 =	vor.u32 v12, v23;
	v38 =	vadd.f32 v38, v49;
	v37 =	vld.idx.msk [tilespmem:v37+s10+$0x0], $0xffff;
	v63 =	vpop (erf)  }
0xa5: {  	v57 =	vor.u32 v18, v23;
	v40 =	vadd.f32 v51, v40;
	v46 =	vmul.f32 $1.442695020e+00, v46;
	v56 =	vpop (erf)  }
0xa6: {  	v41 =	vld.idx.msk [tilespmem:v41+s10+$0x0], $0xffff;
	v39 =	vadd.f32 v39, v50;
	v42 =	vadd.f32 v53, v42;
	v44 =	vmul.f32 $1.442695020e+00, v44;
	v58 =	vpop (erf)  }
0xa7: {  	v30 =	vadd.f32 v40, v30;
	(erf) = vpow2.f32 v46;
	v45 =	vmul.f32 $1.442695020e+00, v45;
	v59 =	vpop (erf)  }
0xa8: {  	v34 =	vld.idx.msk [tilespmem:v34+s10+$0x0], $0xffff;
	v61 =	vmul.f32 $1.442695020e+00, v47;
	v49 =	vadd.f32 v63, v56;
	v40 =	vadd.f32 v59, v58  }
0xa9: {  	v60 =	vld.idx.msk [tilespmem:v54+s10+$0x0], $0xffff;
	v62 =	vmul.f32 $1.442695020e+00, v48;
	v37 =	vmul.f32 $1.442695020e+00, v37;
	v42 =	vadd.f32 v42, v43  }
0xaa: {  	(erf) = vpow2.f32 v45;
	v39 =	vadd.f32 v49, v39;
	v38 =	vadd.f32 v38, v40  }
0xab: {  	v33 =	vld.idx.msk [tilespmem:v33+s10+$0x0], $0xffff;
	v63 =	vmul.f32 $1.442695020e+00, v41;
	(erf) = vpow2.f32 v62  }
0xac: {  	v32 =	vld.idx.msk [tilespmem:v32+s10+$0x0], $0xffff;
	(erf) = vpow2.f32 v44;
	v39 =	vadd.f32 v42, v39;
	v30 =	vadd.f32 v38, v30  }
0xad: {  	v34 =	vmul.f32 $1.442695020e+00, v34;
	(erf) = vpow2.f32 v63  }
0xae: {  	v44 =	vld.idx.msk [tilespmem:v57+s10+$0x0], $0xffff;
	v45 =	vmul.f32 $1.442695020e+00, v60;
	(erf) = vpow2.f32 v61;
	v30 =	vadd.f32 v39, v30  }
0xaf: {  	v47 =	vld.idx.msk [tilespmem:v55+s10+$0x0], $0xffff;
	(erf) = vpow2.f32 v37  }
0xb0: {  	v35 =	vld.idx.msk [tilespmem:v35+s10+$0x0], $0xffff;
	v33 =	vmul.f32 $1.442695020e+00, v33;
	(erf) = vpow2.f32 v45;
	v48 =	vand.u32 $0x7FFFFF, v30  }
0xb1: {  	v36 =	vld.idx.msk [tilespmem:v36+s10+$0x0], $0xffff;
	v32 =	vmul.f32 $1.442695020e+00, v32;
	(erf) = vpow2.f32 v34;
	v37 =	vor.u32 $0x3F800000, v48  }
0xb2: {  	v29 =	vld.idx.msk [tilespmem:v29+s10+$0x0], $0xffff;
	v34 =	vpop (erf);
	(erf) = vpow2.f32 v33;
	v49 =	vadd.f32 $1.000000000e+00, v37  }
0xb3: {  	v50 =	vmul.f32 $1.442695020e+00, v44;
	v51 =	vpop (erf);
	(erf) = vpow2.f32 v32  }
0xb4: {  	v53 =	vmul.f32 $1.442695020e+00, v47;
	v54 =	vpop (erf);
	(erf) = vrcp.f32 v49  }
0xb5: {  	v35 =	vmul.f32 $1.442695020e+00, v35;
	v55 =	vpop (erf);
	(erf) = vpow2.f32 v50  }
0xb6: {  	v56 =	vmul.f32 $1.442695020e+00, v36;
	v57 =	vpop (erf);
	(erf) = vpow2.f32 v53  }
0xb7: {  	v29 =	vmul.f32 $1.442695020e+00, v29;
	v58 =	vpop (erf);
	(erf) = vpow2.f32 v35  }
0xb8: {  	v59 =	vpop (erf);
	(erf) = vpow2.f32 v56  }
0xb9: {  	v60 =	vpop (erf);
	(erf) = vpow2.f32 v29  }
0xba: {  	v61 =	vpop (erf)  }
0xbb: {  	v62 =	vpop (erf)  }
0xbc: {  	v63 =	vpop (erf)  }
0xbd: {  	v48 =	vpop (erf)  }
0xbe: {  	v49 =	vpop (erf)  }
0xbf: {  	v50 =	vpop (erf)  }
0xc0: {  	v34 =	vadd.f32 v51, v34;
	v35 =	vadd.f32 v57, v61;
	v51 =	vpop (erf)  }
0xc1: {  	v29 =	vadd.f32 v60, v54;
	v33 =	vadd.f32 v59, v62;
	v53 =	vpop (erf)  }
0xc2: {  	v39 =	vadd.f32 v63, v55;
	v32 =	vadd.f32 v49, v58;
	v54 =	vpop (erf)  }
0xc3: {  	v38 =	vadd.f32 v50, v51;
	v36 =	vadd.f32 v54, v53  }
0xc4: {  	v34 =	vadd.f32 v39, v34;
	v29 =	vadd.f32 v32, v29  }
0xc5: {  	v55 =	vadd.f32 v38, v33;
	v56 =	vadd.f32 v35, v36;
	_ =	sdelay $0x1  }
0xc6: {  	v29 =	vadd.f32 v29, v55;
	v57 =	vadd.f32 v56, v34;
	_ =	sdelay $0x1  }
0xc7: {  	v29 =	vadd.f32 v29, v57;
	_ =	sdelay $0x1  }
0xc8: {  	v32 =	vand.u32 $0x7FFFFF, v29  }
0xc9: {  	v32 =	vor.u32 $0x3F800000, v32  }
0xca: {  	v58 =	vadd.f32 $1.000000000e+00, v32;
	_ =	sdelay $0x1  }
0xcb: {  	(erf) = vrcp.f32 v58;
	_ =	sdelay $0x2  }
0xcc: {  	v26 =	vadd.f32 $-1.000000000e+00, v26;
	_ =	sdelay $0x1  }
0xcd: {  	v26 =	vmul.f32 v52, v26  }
0xce: {  	v59 =	vadd.f32 $-1.000000000e+00, v37  }
0xcf: {  	v60 =	vmul.f32 v26, v26  }
0xd0: {  	v33 =	vmul.f32 v48, v59;
	v32 =	vadd.f32 $-1.000000000e+00, v32  }
0xd1: {  	v61 =	vmul.f32 $2.857142980e-01, v60;
	v62 =	vpop (erf)  }
0xd2: {  	v63 =	vmul.f32 v33, v33;
	v32 =	vmul.f32 v62, v32  }
0xd3: {  	v24 =	vor.u32 v16, v24;
	v35 =	vadd.f32 $4.000000060e-01, v61  }
0xd4: {  	v28 =	vadd.s32 $0xFFFFFF81, v28;
	v41 =	vmul.f32 $2.857142980e-01, v63;
	v42 =	vmul.f32 v32, v32  }
0xd5: {  	v21 =	vmul.f32 $6.931471820e-01, v21;
	v31 =	vadd.f32 $2.000000000e+00, v31;
	v35 =	vmul.f32 v35, v60  }
0xd6: {  	v28 =	vcvt.s32.f32 v28;
	v36 =	vadd.f32 $4.000000060e-01, v41;
	v43 =	vmul.f32 $2.857142980e-01, v42  }
0xd7: {  	v27 =	vshrl.u32 v27, v13;
	v22 =	vmul.f32 v31, v22;
	v44 =	vadd.f32 $6.666666860e-01, v35  }
0xd8: {  	v27 =	vand.u32 $0xF, v27;
	v45 =	vmul.f32 v36, v63;
	v46 =	vadd.f32 $4.000000060e-01, v43  }
0xd9: {  	v28 =	vmul.f32 $6.931471820e-01, v28;
	v21 =	vadd.f32 v22, v21;
	v48 =	vmul.f32 v44, v60  }
0xda: {  	v47 =	vor.u32 v27, v23;
	v50 =	vadd.f32 $6.666666860e-01, v45;
	v51 =	vmul.f32 v46, v42  }
0xdb: {  	v22 =	vor.u32 v16, v47;
	v49 =	vshrl.u32 v30, $0x17;
	v23 =	vadd.f32 $2.000000000e+00, v48  }
0xdc: {  	v20 =	vld.idx.msk [tilespmem:v20+s10+$0x0], $0xffff;
	v27 =	vadd.s32 $0xFFFFFF81, v49;
	v30 =	vmul.f32 v50, v63;
	v31 =	vadd.f32 $6.666666860e-01, v51  }
0xdd: {  	v21 =	vsub.f32 v21, v25;
	v27 =	vcvt.s32.f32 v27;
	v23 =	vmul.f32 v23, v26  }
0xde: {  	v52 =	vshrl.u32 v29, $0x17;
	v53 =	vadd.f32 $2.000000000e+00, v30;
	v54 =	vmul.f32 v31, v42  }
0xdf: {  	v24 =	vld.idx.msk [tilespmem:v24+s10+$0x0], $0xffff;
	v56 =	vmul.f32 $6.931471820e-01, v27;
	v26 =	vadd.s32 $0xFFFFFF81, v52;
	v23 =	vadd.f32 v23, v28  }
0xe0: {  	v55 =	vcvt.s32.f32 v26;
	v57 =	vmul.f32 v53, v33;
	v58 =	vadd.f32 $2.000000000e+00, v54  }
0xe1: {  	v19 =	vadd.f32 v21, v19;
	v59 =	vld.idx.msk [tilespmem:v22+s10+$0x0], $0xffff;
	v20 =	vsub.f32 v23, v20  }
0xe2: {  	v61 =	vmul.f32 $6.931471820e-01, v55;
	v60 =	vadd.f32 v57, v56;
	v62 =	vmul.f32 v58, v32  }
0xe3: {  	v19 =	vadd.f32 v20, v19  }
0xe4: {  	v20 =	vsub.f32 v60, v24;
	v63 =	vadd.f32 v62, v61;
	_ =	sdelay $0x1  }
0xe5: {  	v19 =	vadd.f32 v20, v19;
	v20 =	vsub.f32 v63, v59;
	_ =	sdelay $0x1  }
0xe6: {  	s13 =	sadd.s32 $0x1, s13;
	v19 =	vadd.f32 v20, v19  }
0xe7: {  	p0 =	sne.s32 s13, s7  }
.Ltmp1:
0xe8: {  	[tilespmem:$0x10400] =	vst v19;
	(pc) =	sbr.rel @p0 .LBB2_1-.Ltmp1, $4  }
0xe9: {  	[hbm4b:s6+s3] =	stream.linear.scatter [tilespmem:s12], [sflag:$0x2], $0x10, $0x38;
	[tilespmem:$0x10480] =	vst v63  }
0xea: {  	_ =	swait.ge [sflag:s8], $0x10  }
0xeb: {  	[sflag:s8] =	ssyncset.done $0x0  }
0xec: {  	[sflag:s8] =	ssyncadd.s32 $0xFFFFFFF0  }
0xed: {  	_ =	sfence.sel $0x180000  }
0xee: {  	[bflag:$0x0] =	sbarrier.arrive $0xFFFF  }
0xef: {  	p0 =	sne.s32 s2, $0x0;
	_ =	strace $0x90000047  }
0xf0: {  	s0 =	sadd.s32 @!p0 $0x100000, s0;
	[bflag:$0x2] =	sbarrier.arrive $0xFFFF  }
0xf1: {  	[sflag:s0] =	ssyncadd.tile.s32 @!p0 $0x1;
	_ =	shalt  }
.Lfunc_end2:
_tile_overlayer_lowered:
.L_overlay_start_2:
0xf2: {  	(tag) =	ssettag $0x2  }
0xf3: {  	s0 =	rddreg [dreg:$0x0];
	s2 =	stileid.u32  }
0xf4: {  	s1 =	rddreg [dreg:$0x1];
	p0 =	sne.s32 s2, $0x0  }
0xf5: {  	s3 =	rddreg [dreg:$0x2];
	[bflag:$0x3] =	sbarrier.arrive $0xFFFF;
	s2 =	simm.s32 @!p0 $0x1C02  }
0xf6: {  	[timem:s3], [sflag:s2] =	dma.local @!p0 [hbm:s0], s1  }
0xf7: {  	s0 =	simm.s32 @!p0 $0x2  }
0xf8: {  	_ =	swait.ge @!p0 [sflag:s0], s1  }
0xf9: {  	s1 =	ssub.s32 @!p0 $0x0, s1;
	[sflag:s0] =	ssyncset.done @!p0 $0x0  }
0xfa: {  	[sflag:s0] =	ssyncadd.s32 @!p0 s1  }
0xfb: {  	[bflag:$0x3] =	sbarrier.arrive $0xFFFF  }
0xfc: {  	_ =	shalt  }

</sc_bundles>
